<compile_context>
chip_gen: v7x
topology: tpu7x:2x2x1
jax: 0.10.2.dev20260603
libtpu: 0.0.44.dev20260713+nightly
codegen_flags: <defaults>
</compile_context>

<pallas_src>
import functools

import jax
import jax.numpy as jnp
from jax import lax
from jax.experimental import pallas as pl
from jax.experimental.pallas import tpu as pltpu
from jax.experimental.pallas import tpu_sc as plsc

_MAXT = 1.0
_ROWS = 50000
_DIM = 128
_DELTAT = _MAXT / _ROWS
_LANES = 16
_SUB = 128
_NBUF = 2
_NSLAB = 4


@functools.cache
def _sc_gather(R, C, NC, NS):
    NW = NC * NS
    b_per_w = R // NW
    n_chunks = b_per_w // C
    n_sub = C // _SUB
    assert n_chunks % _NSLAB == 0 and _NSLAB % _NBUF == 0
    mesh = plsc.VectorSubcoreMesh(core_axis_name="c", subcore_axis_name="s")

    buf_types = [pltpu.VMEM((b_per_w,), jnp.float32)]
    for _ in range(_NBUF):
        buf_types += [
            pltpu.VMEM((C,), jnp.int32),
            pltpu.VMEM((C, _DIM), jnp.float32),
            pltpu.SemaphoreType.DMA,
            pltpu.SemaphoreType.DMA,
        ]
    buf_types += [pltpu.VMEM_SHARED((NS, _NSLAB, C, _DIM), jnp.float32)]
    buf_types += [pltpu.SemaphoreType.DMA] * _NSLAB

    @functools.partial(
        pl.kernel,
        out_type=jax.ShapeDtypeStruct((R, _DIM), jnp.float32),
        mesh=mesh,
        scratch_types=buf_types,
    )
    def k(ts_hbm, table_hbm, out_hbm, ts_all, *bufs):
        sid = lax.axis_index("s")
        wid = sid * NC + lax.axis_index("c")
        base = wid * b_per_w
        idx_v = [bufs[4 * b + 0] for b in range(_NBUF)]
        rows_v = [bufs[4 * b + 1] for b in range(_NBUF)]
        gsem = [bufs[4 * b + 2] for b in range(_NBUF)]
        hsem = [bufs[4 * b + 3] for b in range(_NBUF)]
        shared = bufs[4 * _NBUF]
        osem = list(bufs[4 * _NBUF + 1:])

        pltpu.sync_copy(ts_hbm.at[pl.ds(base, b_per_w)], ts_all)

        def idx_compute(chunk, b):
            def idx_body(i, c):
                v = ts_all[pl.ds(chunk * C + i * _LANES, _LANES)]
                q = (v / _DELTAT).astype(jnp.int32)
                q = jnp.minimum(jnp.maximum(q, 0), _ROWS - 1)
                idx_v[b][pl.ds(i * _LANES, _LANES)] = q
                return c

            lax.fori_loop(0, C // _LANES, idx_body, 0)

        def fire_gather(b):
            for j in range(n_sub):
                pltpu.async_copy(
                    table_hbm.at[idx_v[b].at[pl.ds(j * _SUB, _SUB)]],
                    rows_v[b].at[pl.ds(j * _SUB, _SUB)],
                    gsem[b],
                )

        def wait_gather(b):
            for j in range(n_sub):
                pltpu.make_async_copy(
                    table_hbm.at[idx_v[b].at[pl.ds(j * _SUB, _SUB)]],
                    rows_v[b].at[pl.ds(j * _SUB, _SUB)],
                    gsem[b],
                ).wait()

        def wait_drain(s):
            pltpu.make_async_copy(
                shared.at[sid, s], out_hbm.at[pl.ds(base, C)], osem[s]
            ).wait()

        def body(chunk, b, s, first, last):
            wait_gather(b)
            if not first:
                wait_drain(s)
            pltpu.async_copy(rows_v[b], shared.at[sid, s], hsem[b])
            if not last:
                idx_compute(chunk + _NBUF, b)
            pltpu.make_async_copy(rows_v[b], shared.at[sid, s], hsem[b]).wait()
            start = base + chunk * C
            pltpu.async_copy(shared.at[sid, s], out_hbm.at[pl.ds(start, C)], osem[s])
            if not last:
                fire_gather(b)

        for b in range(_NBUF):
            idx_compute(b, b)
            fire_gather(b)

        for c in range(_NSLAB):
            body(c, c % _NBUF, c, True, False)

        def group_body(g, carry):
            for i in range(_NSLAB):
                chunk = g * _NSLAB + i
                body(chunk, i % _NBUF, i, False, False)
            return carry

        lax.fori_loop(1, n_chunks // _NSLAB - 1, group_body, 0)

        for i in range(_NSLAB):
            body(n_chunks - _NSLAB + i, i % _NBUF, i, False,
                 i >= _NSLAB - _NBUF)
        for s in range(_NSLAB):
            wait_drain(s)

    return k


def kernel(timestamps, table):
    B, T = timestamps.shape
    R = B * T
    info = plsc.get_sparse_core_info()
    k = _sc_gather(R, 128, info.num_cores, info.num_subcores)
    out = k(jnp.reshape(timestamps, (R,)), table)
    return jnp.reshape(out, (B, T, _DIM))

# --- scband reference (transcript-rebuilt; emitter-appended) ---
"""Pipeline reference for scband-position-encoder-17059610099879 (READ-ONLY COPY).

The authoritative reference and input builder live on the scoring server;
editing this copy changes nothing except your own understanding.
"""

import jax, jax.numpy as jnp
import numpy as np

MAXT = 1.0
ROWS = 50000
DIM = 128
DELTAT = MAXT / ROWS


def _timing_encoding_matrix(length, dimension, max_timescale=10000.0):
    T = np.arange(length).reshape((length, 1)).astype(np.float64)
    W_inv_log = np.arange(dimension // 2) * 2.0 / (dimension - 2) * np.log(max_timescale)
    W = 1.0 / np.exp(W_inv_log)
    pe = T @ W.reshape((1, dimension // 2))
    pe = np.concatenate([np.sin(pe), np.cos(pe)], axis=1)
    return jnp.asarray(pe, dtype=jnp.float32)


def setup_inputs(seed: int = 0) -> dict:
    key = jax.random.key(seed)
    timestamps = jax.random.uniform(key, (4096, 200), dtype=jnp.float32)
    table = _timing_encoding_matrix(ROWS, DIM)
    return {"timestamps": timestamps, "table": table}


def reference(timestamps, table):
    # timestamps_to_indexes: floor-divide by deltat, clip to [0, rows-1]
    idx = jnp.floor(timestamps / DELTAT).astype(jnp.int32)
    idx = jnp.clip(idx, 0, ROWS - 1)
    # gather rows of the sinusoidal timing encoding matrix
    return jnp.take(table, idx, axis=0)

if __name__ == "__main__":
    import jax
    _d = setup_inputs()
    print(jax.jit(kernel)(*tuple(_d.values())))

</pallas_src>

<mosaic_0001>
#map = affine_map<(d0, d1) -> (0)>
#map1 = affine_map<(d0, d1) -> (0, 0)>
module attributes {stable_mosaic.version = 14 : i64} {
  func.func @k(%arg0: i32, %arg1: i32, %arg2: memref<819200xf32, #tpu.memory_space<hbm>>, %arg3: memref<50000x128xf32, #tpu.memory_space<hbm>>, %arg4: memref<819200x128xf32, #tpu.memory_space<hbm>>, %arg5: memref<25600xf32, #tpu.memory_space<vmem>>, %arg6: memref<128xi32, #tpu.memory_space<vmem>>, %arg7: memref<128x128xf32, #tpu.memory_space<vmem>>, %arg8: memref<!tpu.dma_semaphore, #tpu.memory_space<semaphore_mem>>, %arg9: memref<!tpu.dma_semaphore, #tpu.memory_space<semaphore_mem>>, %arg10: memref<128xi32, #tpu.memory_space<vmem>>, %arg11: memref<128x128xf32, #tpu.memory_space<vmem>>, %arg12: memref<!tpu.dma_semaphore, #tpu.memory_space<semaphore_mem>>, %arg13: memref<!tpu.dma_semaphore, #tpu.memory_space<semaphore_mem>>, %arg14: memref<16x4x128x128xf32, #tpu.memory_space<vmem_shared>>, %arg15: memref<!tpu.dma_semaphore, #tpu.memory_space<semaphore_mem>>, %arg16: memref<!tpu.dma_semaphore, #tpu.memory_space<semaphore_mem>>, %arg17: memref<!tpu.dma_semaphore, #tpu.memory_space<semaphore_mem>>, %arg18: memref<!tpu.dma_semaphore, #tpu.memory_space<semaphore_mem>>) attributes {dimension_semantics = [#tpu.dimension_semantics<core_parallel>, #tpu.dimension_semantics<subcore_parallel>], iteration_bounds = array<i64: 2, 16>, scalar_prefetch = 0 : i64, scratch_operands = 14 : i64, tpu.core_type = #tpu.core_type<sc_vector_subcore>, window_params = [{transform_indices = #map}, {transform_indices = #map1}, {transform_indices = #map1}]} {
    %mul3A = arith.constant 2 : i32
    %mul3A_0 = arith.muli %arg1, %mul3A : i32
    %add3A = arith.addi %mul3A_0, %arg0 : i32
    %mul3A_1 = arith.constant 25600 : i32
    %mul3A_2 = arith.muli %add3A, %mul3A_1 : i32
    "tpu.region"() ({
      %run_scoped3A = tpu.sem_alloc : memref<!tpu.dma_semaphore, #tpu.memory_space<semaphore_mem>>
      %dma_start3A_454 = tpu.memref_slice %arg2[%mul3A_2] : memref<819200xf32, #tpu.memory_space<hbm>> -> memref<25600xf32, #tpu.memory_space<hbm>>
      %dma_start3A_455 = tpu.memref_slice %arg2[%mul3A_2] : memref<819200xf32, #tpu.memory_space<hbm>> -> memref<25600xf32, #tpu.memory_space<hbm>>
      tpu.enqueue_dma source(%dma_start3A_455 : memref<25600xf32, #tpu.memory_space<hbm>>) target(%arg5 : memref<25600xf32, #tpu.memory_space<vmem>>) target_semaphore(%run_scoped3A : memref<!tpu.dma_semaphore, #tpu.memory_space<semaphore_mem>>)
      %dma_wait3A_456 = tpu.memref_slice %arg2[%mul3A_2] : memref<819200xf32, #tpu.memory_space<hbm>> -> memref<25600xf32, #tpu.memory_space<hbm>>
      %dma_wait3A_457 = tpu.memref_slice %arg2[%mul3A_2] : memref<819200xf32, #tpu.memory_space<hbm>> -> memref<25600xf32, #tpu.memory_space<hbm>>
      tpu.wait_dma2 semaphore(%run_scoped3A : memref<!tpu.dma_semaphore, #tpu.memory_space<semaphore_mem>>) src(%dma_wait3A_457 : memref<25600xf32, #tpu.memory_space<hbm>>) dst(%arg5 : memref<25600xf32, #tpu.memory_space<vmem>>)
      tpu.yield
    }) : () -> ()
    %scan3A = arith.constant 0 : i32
    %scan3A_3 = arith.constant 0 : i32
    %scan3A_4 = arith.constant 8 : i32
    %scan3A_5 = arith.addi %scan3A_3, %scan3A_4 : i32
    %scan3A_6 = arith.constant 1 : i32
    scf.for %scan3A_454 = %scan3A_3 to %scan3A_5 step %scan3A_6  : i32 {
      %mul3A_455 = arith.constant 16 : i32
      %mul3A_456 = arith.muli %scan3A_454, %mul3A_455 : i32
      %add3A_457 = arith.constant 0 : i32
      %add3A_458 = arith.addi %add3A_457, %mul3A_456 : i32
      %get3A = arith.index_cast %add3A_458 : i32 to index
      %get3A_459 = tpu.vector_load %arg5[%get3A] {strides = array<i32>} : memref<25600xf32, #tpu.memory_space<vmem>>, vector<16xf32>,
      %get3A_460 = vector.shape_cast %get3A_459 : vector<16xf32> to vector<16xf32>
      %div3A = arith.constant 2.000000e-05 : f32
      %div3A_461 = vector.broadcast %div3A : f32 to vector<16xf32>
      %div3A_462 = arith.divf %get3A_460, %div3A_461 : vector<16xf32>
      %convert_element_type3A = arith.fptosi %div3A_462 : vector<16xf32> to vector<16xi32>
      %max3A = arith.constant 0 : i32
      %max3A_463 = vector.broadcast %max3A : i32 to vector<16xi32>
      %max3A_464 = arith.maxsi %convert_element_type3A, %max3A_463 : vector<16xi32>
      %min3A = arith.constant 49999 : i32
      %min3A_465 = vector.broadcast %min3A : i32 to vector<16xi32>
      %min3A_466 = arith.minsi %max3A_464, %min3A_465 : vector<16xi32>
      %mul3A_467 = arith.constant 16 : i32
      %mul3A_468 = arith.muli %scan3A_454, %mul3A_467 : i32
      %swap3A = arith.index_cast %mul3A_468 : i32 to index
      %swap3A_469 = tpu.vector_load %arg6[%swap3A] {strides = array<i32>} : memref<128xi32, #tpu.memory_space<vmem>>, vector<16xi32>,
      %swap3A_470 = vector.shape_cast %swap3A_469 : vector<16xi32> to vector<16xi32>
      %swap3A_471 = vector.shape_cast %min3A_466 : vector<16xi32> to vector<16xi32>
      tpu.vector_store %arg6[%swap3A], %swap3A_471 {strides = array<i32>} : memref<128xi32, #tpu.memory_space<vmem>>, vector<16xi32>,
    }
    %scan3A_7 = arith.constant 8 : i32
    %dma_start3A = arith.constant 0 : i32
    %dma_start3A_8 = arith.constant 0 : i32
    %dma_start3A_9 = tpu.memref_slice %arg7[%dma_start3A, %dma_start3A_8] : memref<128x128xf32, #tpu.memory_space<vmem>> -> memref<128x128xf32, #tpu.memory_space<vmem>>
    %dma_start3A_10 = arith.constant 0 : i32
    %dma_start3A_11 = tpu.memref_slice %arg6[%dma_start3A_10] : memref<128xi32, #tpu.memory_space<vmem>> -> memref<128xi32, #tpu.memory_space<vmem>>
    %dma_start3A_12 = arith.constant 0 : i32
    %dma_start3A_13 = arith.constant 0 : i32
    %dma_start3A_14 = tpu.memref_slice %arg3[%dma_start3A_12, %dma_start3A_13] : memref<50000x128xf32, #tpu.memory_space<hbm>> -> memref<50000x128xf32, #tpu.memory_space<hbm>>
    tpu.enqueue_indirect_dma source(%dma_start3A_14 : memref<50000x128xf32, #tpu.memory_space<hbm>>) target(%dma_start3A_9 : memref<128x128xf32, #tpu.memory_space<vmem>>) offsets(%dma_start3A_11 : memref<128xi32, #tpu.memory_space<vmem>>) semaphore(%arg8 : memref<!tpu.dma_semaphore, #tpu.memory_space<semaphore_mem>>)
    %scan3A_15 = arith.constant 0 : i32
    %scan3A_16 = arith.constant 0 : i32
    %scan3A_17 = arith.constant 8 : i32
    %scan3A_18 = arith.addi %scan3A_16, %scan3A_17 : i32
    %scan3A_19 = arith.constant 1 : i32
    scf.for %scan3A_454 = %scan3A_16 to %scan3A_18 step %scan3A_19  : i32 {
      %mul3A_455 = arith.constant 16 : i32
      %mul3A_456 = arith.muli %scan3A_454, %mul3A_455 : i32
      %add3A_457 = arith.constant 128 : i32
      %add3A_458 = arith.addi %add3A_457, %mul3A_456 : i32
      %get3A = arith.index_cast %add3A_458 : i32 to index
      %get3A_459 = tpu.vector_load %arg5[%get3A] {strides = array<i32>} : memref<25600xf32, #tpu.memory_space<vmem>>, vector<16xf32>,
      %get3A_460 = vector.shape_cast %get3A_459 : vector<16xf32> to vector<16xf32>
      %div3A = arith.constant 2.000000e-05 : f32
      %div3A_461 = vector.broadcast %div3A : f32 to vector<16xf32>
      %div3A_462 = arith.divf %get3A_460, %div3A_461 : vector<16xf32>
      %convert_element_type3A = arith.fptosi %div3A_462 : vector<16xf32> to vector<16xi32>
      %max3A = arith.constant 0 : i32
      %max3A_463 = vector.broadcast %max3A : i32 to vector<16xi32>
      %max3A_464 = arith.maxsi %convert_element_type3A, %max3A_463 : vector<16xi32>
      %min3A = arith.constant 49999 : i32
      %min3A_465 = vector.broadcast %min3A : i32 to vector<16xi32>
      %min3A_466 = arith.minsi %max3A_464, %min3A_465 : vector<16xi32>
      %mul3A_467 = arith.constant 16 : i32
      %mul3A_468 = arith.muli %scan3A_454, %mul3A_467 : i32
      %swap3A = arith.index_cast %mul3A_468 : i32 to index
      %swap3A_469 = tpu.vector_load %arg10[%swap3A] {strides = array<i32>} : memref<128xi32, #tpu.memory_space<vmem>>, vector<16xi32>,
      %swap3A_470 = vector.shape_cast %swap3A_469 : vector<16xi32> to vector<16xi32>
      %swap3A_471 = vector.shape_cast %min3A_466 : vector<16xi32> to vector<16xi32>
      tpu.vector_store %arg10[%swap3A], %swap3A_471 {strides = array<i32>} : memref<128xi32, #tpu.memory_space<vmem>>, vector<16xi32>,
    }
    %scan3A_20 = arith.constant 8 : i32
    %dma_start3A_21 = arith.constant 0 : i32
    %dma_start3A_22 = arith.constant 0 : i32
    %dma_start3A_23 = tpu.memref_slice %arg11[%dma_start3A_21, %dma_start3A_22] : memref<128x128xf32, #tpu.memory_space<vmem>> -> memref<128x128xf32, #tpu.memory_space<vmem>>
    %dma_start3A_24 = arith.constant 0 : i32
    %dma_start3A_25 = tpu.memref_slice %arg10[%dma_start3A_24] : memref<128xi32, #tpu.memory_space<vmem>> -> memref<128xi32, #tpu.memory_space<vmem>>
    %dma_start3A_26 = arith.constant 0 : i32
    %dma_start3A_27 = arith.constant 0 : i32
    %dma_start3A_28 = tpu.memref_slice %arg3[%dma_start3A_26, %dma_start3A_27] : memref<50000x128xf32, #tpu.memory_space<hbm>> -> memref<50000x128xf32, #tpu.memory_space<hbm>>
    tpu.enqueue_indirect_dma source(%dma_start3A_28 : memref<50000x128xf32, #tpu.memory_space<hbm>>) target(%dma_start3A_23 : memref<128x128xf32, #tpu.memory_space<vmem>>) offsets(%dma_start3A_25 : memref<128xi32, #tpu.memory_space<vmem>>) semaphore(%arg12 : memref<!tpu.dma_semaphore, #tpu.memory_space<semaphore_mem>>)
    %dma_wait3A = arith.constant 0 : i32
    %dma_wait3A_29 = arith.constant 0 : i32
    %dma_wait3A_30 = tpu.memref_slice %arg7[%dma_wait3A, %dma_wait3A_29] : memref<128x128xf32, #tpu.memory_space<vmem>> -> memref<128x128xf32, #tpu.memory_space<vmem>>
    %dma_wait3A_31 = arith.constant 0 : i32
    %dma_wait3A_32 = tpu.memref_slice %arg6[%dma_wait3A_31] : memref<128xi32, #tpu.memory_space<vmem>> -> memref<128xi32, #tpu.memory_space<vmem>>
    %dma_wait3A_33 = arith.constant 0 : i32
    %dma_wait3A_34 = arith.constant 0 : i32
    %dma_wait3A_35 = tpu.memref_slice %arg3[%dma_wait3A_33, %dma_wait3A_34] : memref<50000x128xf32, #tpu.memory_space<hbm>> -> memref<50000x128xf32, #tpu.memory_space<hbm>>
    tpu.wait_indirect_dma semaphore(%arg8 : memref<!tpu.dma_semaphore, #tpu.memory_space<semaphore_mem>>) src(%dma_wait3A_35 : memref<50000x128xf32, #tpu.memory_space<hbm>>) dst(%dma_wait3A_30 : memref<128x128xf32, #tpu.memory_space<vmem>>)
    %dma_start3A_36 = arith.constant 0 : i32
    %dma_start3A_37 = arith.constant 0 : i32
    %dma_start3A_38 = arith.constant 0 : i32
    %dma_start3A_39 = tpu.memref_slice %arg14[%arg1, %dma_start3A_36, %dma_start3A_37, %dma_start3A_38] : memref<16x4x128x128xf32, #tpu.memory_space<vmem_shared>> -> memref<1x1x128x128xf32, #tpu.memory_space<vmem_shared>>
    %dma_start3A_40 = tpu.memref_squeeze %dma_start3A_39 : memref<1x1x128x128xf32, #tpu.memory_space<vmem_shared>> -> memref<128x128xf32, #tpu.memory_space<vmem_shared>>
    %dma_start3A_41 = arith.constant 0 : i32
    %dma_start3A_42 = arith.constant 0 : i32
    %dma_start3A_43 = tpu.memref_slice %arg14[%arg1, %dma_start3A_36, %dma_start3A_41, %dma_start3A_42] : memref<16x4x128x128xf32, #tpu.memory_space<vmem_shared>> -> memref<1x1x128x128xf32, #tpu.memory_space<vmem_shared>>
    %dma_start3A_44 = tpu.memref_squeeze %dma_start3A_43 : memref<1x1x128x128xf32, #tpu.memory_space<vmem_shared>> -> memref<128x128xf32, #tpu.memory_space<vmem_shared>>
    tpu.enqueue_dma source(%arg7 : memref<128x128xf32, #tpu.memory_space<vmem>>) target(%dma_start3A_44 : memref<128x128xf32, #tpu.memory_space<vmem_shared>>) target_semaphore(%arg9 : memref<!tpu.dma_semaphore, #tpu.memory_space<semaphore_mem>>)
    %scan3A_45 = arith.constant 0 : i32
    %scan3A_46 = arith.constant 0 : i32
    %scan3A_47 = arith.constant 8 : i32
    %scan3A_48 = arith.addi %scan3A_46, %scan3A_47 : i32
    %scan3A_49 = arith.constant 1 : i32
    scf.for %scan3A_454 = %scan3A_46 to %scan3A_48 step %scan3A_49  : i32 {
      %mul3A_455 = arith.constant 16 : i32
      %mul3A_456 = arith.muli %scan3A_454, %mul3A_455 : i32
      %add3A_457 = arith.constant 256 : i32
      %add3A_458 = arith.addi %add3A_457, %mul3A_456 : i32
      %get3A = arith.index_cast %add3A_458 : i32 to index
      %get3A_459 = tpu.vector_load %arg5[%get3A] {strides = array<i32>} : memref<25600xf32, #tpu.memory_space<vmem>>, vector<16xf32>,
      %get3A_460 = vector.shape_cast %get3A_459 : vector<16xf32> to vector<16xf32>
      %div3A = arith.constant 2.000000e-05 : f32
      %div3A_461 = vector.broadcast %div3A : f32 to vector<16xf32>
      %div3A_462 = arith.divf %get3A_460, %div3A_461 : vector<16xf32>
      %convert_element_type3A = arith.fptosi %div3A_462 : vector<16xf32> to vector<16xi32>
      %max3A = arith.constant 0 : i32
      %max3A_463 = vector.broadcast %max3A : i32 to vector<16xi32>
      %max3A_464 = arith.maxsi %convert_element_type3A, %max3A_463 : vector<16xi32>
      %min3A = arith.constant 49999 : i32
      %min3A_465 = vector.broadcast %min3A : i32 to vector<16xi32>
      %min3A_466 = arith.minsi %max3A_464, %min3A_465 : vector<16xi32>
      %mul3A_467 = arith.constant 16 : i32
      %mul3A_468 = arith.muli %scan3A_454, %mul3A_467 : i32
      %swap3A = arith.index_cast %mul3A_468 : i32 to index
      %swap3A_469 = tpu.vector_load %arg6[%swap3A] {strides = array<i32>} : memref<128xi32, #tpu.memory_space<vmem>>, vector<16xi32>,
      %swap3A_470 = vector.shape_cast %swap3A_469 : vector<16xi32> to vector<16xi32>
      %swap3A_471 = vector.shape_cast %min3A_466 : vector<16xi32> to vector<16xi32>
      tpu.vector_store %arg6[%swap3A], %swap3A_471 {strides = array<i32>} : memref<128xi32, #tpu.memory_space<vmem>>, vector<16xi32>,
    }
    %scan3A_50 = arith.constant 8 : i32
    %dma_wait3A_51 = arith.constant 0 : i32
    %dma_wait3A_52 = arith.constant 0 : i32
    %dma_wait3A_53 = arith.constant 0 : i32
    %dma_wait3A_54 = tpu.memref_slice %arg14[%arg1, %dma_wait3A_51, %dma_wait3A_52, %dma_wait3A_53] : memref<16x4x128x128xf32, #tpu.memory_space<vmem_shared>> -> memref<1x1x128x128xf32, #tpu.memory_space<vmem_shared>>
    %dma_wait3A_55 = tpu.memref_squeeze %dma_wait3A_54 : memref<1x1x128x128xf32, #tpu.memory_space<vmem_shared>> -> memref<128x128xf32, #tpu.memory_space<vmem_shared>>
    %dma_wait3A_56 = arith.constant 0 : i32
    %dma_wait3A_57 = arith.constant 0 : i32
    %dma_wait3A_58 = tpu.memref_slice %arg14[%arg1, %dma_wait3A_51, %dma_wait3A_56, %dma_wait3A_57] : memref<16x4x128x128xf32, #tpu.memory_space<vmem_shared>> -> memref<1x1x128x128xf32, #tpu.memory_space<vmem_shared>>
    %dma_wait3A_59 = tpu.memref_squeeze %dma_wait3A_58 : memref<1x1x128x128xf32, #tpu.memory_space<vmem_shared>> -> memref<128x128xf32, #tpu.memory_space<vmem_shared>>
    tpu.wait_dma2 semaphore(%arg9 : memref<!tpu.dma_semaphore, #tpu.memory_space<semaphore_mem>>) src(%arg7 : memref<128x128xf32, #tpu.memory_space<vmem>>) dst(%dma_wait3A_59 : memref<128x128xf32, #tpu.memory_space<vmem_shared>>)
    %add3A_60 = arith.constant 0 : i32
    %add3A_61 = arith.addi %mul3A_2, %add3A_60 : i32
    %dma_start3A_62 = arith.constant 0 : i32
    %dma_start3A_63 = arith.constant 0 : i32
    %dma_start3A_64 = tpu.memref_slice %arg4[%add3A_61, %dma_start3A_63] : memref<819200x128xf32, #tpu.memory_space<hbm>> -> memref<128x128xf32, #tpu.memory_space<hbm>>
    %dma_start3A_65 = arith.constant 0 : i32
    %dma_start3A_66 = arith.constant 0 : i32
    %dma_start3A_67 = tpu.memref_slice %arg14[%arg1, %dma_start3A_62, %dma_start3A_65, %dma_start3A_66] : memref<16x4x128x128xf32, #tpu.memory_space<vmem_shared>> -> memref<1x1x128x128xf32, #tpu.memory_space<vmem_shared>>
    %dma_start3A_68 = tpu.memref_squeeze %dma_start3A_67 : memref<1x1x128x128xf32, #tpu.memory_space<vmem_shared>> -> memref<128x128xf32, #tpu.memory_space<vmem_shared>>
    tpu.enqueue_dma source(%dma_start3A_68 : memref<128x128xf32, #tpu.memory_space<vmem_shared>>) target(%dma_start3A_64 : memref<128x128xf32, #tpu.memory_space<hbm>>) target_semaphore(%arg15 : memref<!tpu.dma_semaphore, #tpu.memory_space<semaphore_mem>>)
    %dma_start3A_69 = arith.constant 0 : i32
    %dma_start3A_70 = arith.constant 0 : i32
    %dma_start3A_71 = tpu.memref_slice %arg7[%dma_start3A_69, %dma_start3A_70] : memref<128x128xf32, #tpu.memory_space<vmem>> -> memref<128x128xf32, #tpu.memory_space<vmem>>
    %dma_start3A_72 = arith.constant 0 : i32
    %dma_start3A_73 = tpu.memref_slice %arg6[%dma_start3A_72] : memref<128xi32, #tpu.memory_space<vmem>> -> memref<128xi32, #tpu.memory_space<vmem>>
    %dma_start3A_74 = arith.constant 0 : i32
    %dma_start3A_75 = arith.constant 0 : i32
    %dma_start3A_76 = tpu.memref_slice %arg3[%dma_start3A_74, %dma_start3A_75] : memref<50000x128xf32, #tpu.memory_space<hbm>> -> memref<50000x128xf32, #tpu.memory_space<hbm>>
    tpu.enqueue_indirect_dma source(%dma_start3A_76 : memref<50000x128xf32, #tpu.memory_space<hbm>>) target(%dma_start3A_71 : memref<128x128xf32, #tpu.memory_space<vmem>>) offsets(%dma_start3A_73 : memref<128xi32, #tpu.memory_space<vmem>>) semaphore(%arg8 : memref<!tpu.dma_semaphore, #tpu.memory_space<semaphore_mem>>)
    %dma_wait3A_77 = arith.constant 0 : i32
    %dma_wait3A_78 = arith.constant 0 : i32
    %dma_wait3A_79 = tpu.memref_slice %arg11[%dma_wait3A_77, %dma_wait3A_78] : memref<128x128xf32, #tpu.memory_space<vmem>> -> memref<128x128xf32, #tpu.memory_space<vmem>>
    %dma_wait3A_80 = arith.constant 0 : i32
    %dma_wait3A_81 = tpu.memref_slice %arg10[%dma_wait3A_80] : memref<128xi32, #tpu.memory_space<vmem>> -> memref<128xi32, #tpu.memory_space<vmem>>
    %dma_wait3A_82 = arith.constant 0 : i32
    %dma_wait3A_83 = arith.constant 0 : i32
    %dma_wait3A_84 = tpu.memref_slice %arg3[%dma_wait3A_82, %dma_wait3A_83] : memref<50000x128xf32, #tpu.memory_space<hbm>> -> memref<50000x128xf32, #tpu.memory_space<hbm>>
    tpu.wait_indirect_dma semaphore(%arg12 : memref<!tpu.dma_semaphore, #tpu.memory_space<semaphore_mem>>) src(%dma_wait3A_84 : memref<50000x128xf32, #tpu.memory_space<hbm>>) dst(%dma_wait3A_79 : memref<128x128xf32, #tpu.memory_space<vmem>>)
    %dma_start3A_85 = arith.constant 1 : i32
    %dma_start3A_86 = arith.constant 0 : i32
    %dma_start3A_87 = arith.constant 0 : i32
    %dma_start3A_88 = tpu.memref_slice %arg14[%arg1, %dma_start3A_85, %dma_start3A_86, %dma_start3A_87] : memref<16x4x128x128xf32, #tpu.memory_space<vmem_shared>> -> memref<1x1x128x128xf32, #tpu.memory_space<vmem_shared>>
    %dma_start3A_89 = tpu.memref_squeeze %dma_start3A_88 : memref<1x1x128x128xf32, #tpu.memory_space<vmem_shared>> -> memref<128x128xf32, #tpu.memory_space<vmem_shared>>
    %dma_start3A_90 = arith.constant 0 : i32
    %dma_start3A_91 = arith.constant 0 : i32
    %dma_start3A_92 = tpu.memref_slice %arg14[%arg1, %dma_start3A_85, %dma_start3A_90, %dma_start3A_91] : memref<16x4x128x128xf32, #tpu.memory_space<vmem_shared>> -> memref<1x1x128x128xf32, #tpu.memory_space<vmem_shared>>
    %dma_start3A_93 = tpu.memref_squeeze %dma_start3A_92 : memref<1x1x128x128xf32, #tpu.memory_space<vmem_shared>> -> memref<128x128xf32, #tpu.memory_space<vmem_shared>>
    tpu.enqueue_dma source(%arg11 : memref<128x128xf32, #tpu.memory_space<vmem>>) target(%dma_start3A_93 : memref<128x128xf32, #tpu.memory_space<vmem_shared>>) target_semaphore(%arg13 : memref<!tpu.dma_semaphore, #tpu.memory_space<semaphore_mem>>)
    %scan3A_94 = arith.constant 0 : i32
    %scan3A_95 = arith.constant 0 : i32
    %scan3A_96 = arith.constant 8 : i32
    %scan3A_97 = arith.addi %scan3A_95, %scan3A_96 : i32
    %scan3A_98 = arith.constant 1 : i32
    scf.for %scan3A_454 = %scan3A_95 to %scan3A_97 step %scan3A_98  : i32 {
      %mul3A_455 = arith.constant 16 : i32
      %mul3A_456 = arith.muli %scan3A_454, %mul3A_455 : i32
      %add3A_457 = arith.constant 384 : i32
      %add3A_458 = arith.addi %add3A_457, %mul3A_456 : i32
      %get3A = arith.index_cast %add3A_458 : i32 to index
      %get3A_459 = tpu.vector_load %arg5[%get3A] {strides = array<i32>} : memref<25600xf32, #tpu.memory_space<vmem>>, vector<16xf32>,
      %get3A_460 = vector.shape_cast %get3A_459 : vector<16xf32> to vector<16xf32>
      %div3A = arith.constant 2.000000e-05 : f32
      %div3A_461 = vector.broadcast %div3A : f32 to vector<16xf32>
      %div3A_462 = arith.divf %get3A_460, %div3A_461 : vector<16xf32>
      %convert_element_type3A = arith.fptosi %div3A_462 : vector<16xf32> to vector<16xi32>
      %max3A = arith.constant 0 : i32
      %max3A_463 = vector.broadcast %max3A : i32 to vector<16xi32>
      %max3A_464 = arith.maxsi %convert_element_type3A, %max3A_463 : vector<16xi32>
      %min3A = arith.constant 49999 : i32
      %min3A_465 = vector.broadcast %min3A : i32 to vector<16xi32>
      %min3A_466 = arith.minsi %max3A_464, %min3A_465 : vector<16xi32>
      %mul3A_467 = arith.constant 16 : i32
      %mul3A_468 = arith.muli %scan3A_454, %mul3A_467 : i32
      %swap3A = arith.index_cast %mul3A_468 : i32 to index
      %swap3A_469 = tpu.vector_load %arg10[%swap3A] {strides = array<i32>} : memref<128xi32, #tpu.memory_space<vmem>>, vector<16xi32>,
      %swap3A_470 = vector.shape_cast %swap3A_469 : vector<16xi32> to vector<16xi32>
      %swap3A_471 = vector.shape_cast %min3A_466 : vector<16xi32> to vector<16xi32>
      tpu.vector_store %arg10[%swap3A], %swap3A_471 {strides = array<i32>} : memref<128xi32, #tpu.memory_space<vmem>>, vector<16xi32>,
    }
    %scan3A_99 = arith.constant 8 : i32
    %dma_wait3A_100 = arith.constant 1 : i32
    %dma_wait3A_101 = arith.constant 0 : i32
    %dma_wait3A_102 = arith.constant 0 : i32
    %dma_wait3A_103 = tpu.memref_slice %arg14[%arg1, %dma_wait3A_100, %dma_wait3A_101, %dma_wait3A_102] : memref<16x4x128x128xf32, #tpu.memory_space<vmem_shared>> -> memref<1x1x128x128xf32, #tpu.memory_space<vmem_shared>>
    %dma_wait3A_104 = tpu.memref_squeeze %dma_wait3A_103 : memref<1x1x128x128xf32, #tpu.memory_space<vmem_shared>> -> memref<128x128xf32, #tpu.memory_space<vmem_shared>>
    %dma_wait3A_105 = arith.constant 0 : i32
    %dma_wait3A_106 = arith.constant 0 : i32
    %dma_wait3A_107 = tpu.memref_slice %arg14[%arg1, %dma_wait3A_100, %dma_wait3A_105, %dma_wait3A_106] : memref<16x4x128x128xf32, #tpu.memory_space<vmem_shared>> -> memref<1x1x128x128xf32, #tpu.memory_space<vmem_shared>>
    %dma_wait3A_108 = tpu.memref_squeeze %dma_wait3A_107 : memref<1x1x128x128xf32, #tpu.memory_space<vmem_shared>> -> memref<128x128xf32, #tpu.memory_space<vmem_shared>>
    tpu.wait_dma2 semaphore(%arg13 : memref<!tpu.dma_semaphore, #tpu.memory_space<semaphore_mem>>) src(%arg11 : memref<128x128xf32, #tpu.memory_space<vmem>>) dst(%dma_wait3A_108 : memref<128x128xf32, #tpu.memory_space<vmem_shared>>)
    %add3A_109 = arith.constant 128 : i32
    %add3A_110 = arith.addi %mul3A_2, %add3A_109 : i32
    %dma_start3A_111 = arith.constant 1 : i32
    %dma_start3A_112 = arith.constant 0 : i32
    %dma_start3A_113 = tpu.memref_slice %arg4[%add3A_110, %dma_start3A_112] : memref<819200x128xf32, #tpu.memory_space<hbm>> -> memref<128x128xf32, #tpu.memory_space<hbm>>
    %dma_start3A_114 = arith.constant 0 : i32
    %dma_start3A_115 = arith.constant 0 : i32
    %dma_start3A_116 = tpu.memref_slice %arg14[%arg1, %dma_start3A_111, %dma_start3A_114, %dma_start3A_115] : memref<16x4x128x128xf32, #tpu.memory_space<vmem_shared>> -> memref<1x1x128x128xf32, #tpu.memory_space<vmem_shared>>
    %dma_start3A_117 = tpu.memref_squeeze %dma_start3A_116 : memref<1x1x128x128xf32, #tpu.memory_space<vmem_shared>> -> memref<128x128xf32, #tpu.memory_space<vmem_shared>>
    tpu.enqueue_dma source(%dma_start3A_117 : memref<128x128xf32, #tpu.memory_space<vmem_shared>>) target(%dma_start3A_113 : memref<128x128xf32, #tpu.memory_space<hbm>>) target_semaphore(%arg16 : memref<!tpu.dma_semaphore, #tpu.memory_space<semaphore_mem>>)
    %dma_start3A_118 = arith.constant 0 : i32
    %dma_start3A_119 = arith.constant 0 : i32
    %dma_start3A_120 = tpu.memref_slice %arg11[%dma_start3A_118, %dma_start3A_119] : memref<128x128xf32, #tpu.memory_space<vmem>> -> memref<128x128xf32, #tpu.memory_space<vmem>>
    %dma_start3A_121 = arith.constant 0 : i32
    %dma_start3A_122 = tpu.memref_slice %arg10[%dma_start3A_121] : memref<128xi32, #tpu.memory_space<vmem>> -> memref<128xi32, #tpu.memory_space<vmem>>
    %dma_start3A_123 = arith.constant 0 : i32
    %dma_start3A_124 = arith.constant 0 : i32
    %dma_start3A_125 = tpu.memref_slice %arg3[%dma_start3A_123, %dma_start3A_124] : memref<50000x128xf32, #tpu.memory_space<hbm>> -> memref<50000x128xf32, #tpu.memory_space<hbm>>
    tpu.enqueue_indirect_dma source(%dma_start3A_125 : memref<50000x128xf32, #tpu.memory_space<hbm>>) target(%dma_start3A_120 : memref<128x128xf32, #tpu.memory_space<vmem>>) offsets(%dma_start3A_122 : memref<128xi32, #tpu.memory_space<vmem>>) semaphore(%arg12 : memref<!tpu.dma_semaphore, #tpu.memory_space<semaphore_mem>>)
    %dma_wait3A_126 = arith.constant 0 : i32
    %dma_wait3A_127 = arith.constant 0 : i32
    %dma_wait3A_128 = tpu.memref_slice %arg7[%dma_wait3A_126, %dma_wait3A_127] : memref<128x128xf32, #tpu.memory_space<vmem>> -> memref<128x128xf32, #tpu.memory_space<vmem>>
    %dma_wait3A_129 = arith.constant 0 : i32
    %dma_wait3A_130 = tpu.memref_slice %arg6[%dma_wait3A_129] : memref<128xi32, #tpu.memory_space<vmem>> -> memref<128xi32, #tpu.memory_space<vmem>>
    %dma_wait3A_131 = arith.constant 0 : i32
    %dma_wait3A_132 = arith.constant 0 : i32
    %dma_wait3A_133 = tpu.memref_slice %arg3[%dma_wait3A_131, %dma_wait3A_132] : memref<50000x128xf32, #tpu.memory_space<hbm>> -> memref<50000x128xf32, #tpu.memory_space<hbm>>
    tpu.wait_indirect_dma semaphore(%arg8 : memref<!tpu.dma_semaphore, #tpu.memory_space<semaphore_mem>>) src(%dma_wait3A_133 : memref<50000x128xf32, #tpu.memory_space<hbm>>) dst(%dma_wait3A_128 : memref<128x128xf32, #tpu.memory_space<vmem>>)
    %dma_start3A_134 = arith.constant 2 : i32
    %dma_start3A_135 = arith.constant 0 : i32
    %dma_start3A_136 = arith.constant 0 : i32
    %dma_start3A_137 = tpu.memref_slice %arg14[%arg1, %dma_start3A_134, %dma_start3A_135, %dma_start3A_136] : memref<16x4x128x128xf32, #tpu.memory_space<vmem_shared>> -> memref<1x1x128x128xf32, #tpu.memory_space<vmem_shared>>
    %dma_start3A_138 = tpu.memref_squeeze %dma_start3A_137 : memref<1x1x128x128xf32, #tpu.memory_space<vmem_shared>> -> memref<128x128xf32, #tpu.memory_space<vmem_shared>>
    %dma_start3A_139 = arith.constant 0 : i32
    %dma_start3A_140 = arith.constant 0 : i32
    %dma_start3A_141 = tpu.memref_slice %arg14[%arg1, %dma_start3A_134, %dma_start3A_139, %dma_start3A_140] : memref<16x4x128x128xf32, #tpu.memory_space<vmem_shared>> -> memref<1x1x128x128xf32, #tpu.memory_space<vmem_shared>>
    %dma_start3A_142 = tpu.memref_squeeze %dma_start3A_141 : memref<1x1x128x128xf32, #tpu.memory_space<vmem_shared>> -> memref<128x128xf32, #tpu.memory_space<vmem_shared>>
    tpu.enqueue_dma source(%arg7 : memref<128x128xf32, #tpu.memory_space<vmem>>) target(%dma_start3A_142 : memref<128x128xf32, #tpu.memory_space<vmem_shared>>) target_semaphore(%arg9 : memref<!tpu.dma_semaphore, #tpu.memory_space<semaphore_mem>>)
    %scan3A_143 = arith.constant 0 : i32
    %scan3A_144 = arith.constant 0 : i32
    %scan3A_145 = arith.constant 8 : i32
    %scan3A_146 = arith.addi %scan3A_144, %scan3A_145 : i32
    %scan3A_147 = arith.constant 1 : i32
    scf.for %scan3A_454 = %scan3A_144 to %scan3A_146 step %scan3A_147  : i32 {
      %mul3A_455 = arith.constant 16 : i32
      %mul3A_456 = arith.muli %scan3A_454, %mul3A_455 : i32
      %add3A_457 = arith.constant 512 : i32
      %add3A_458 = arith.addi %add3A_457, %mul3A_456 : i32
      %get3A = arith.index_cast %add3A_458 : i32 to index
      %get3A_459 = tpu.vector_load %arg5[%get3A] {strides = array<i32>} : memref<25600xf32, #tpu.memory_space<vmem>>, vector<16xf32>,
      %get3A_460 = vector.shape_cast %get3A_459 : vector<16xf32> to vector<16xf32>
      %div3A = arith.constant 2.000000e-05 : f32
      %div3A_461 = vector.broadcast %div3A : f32 to vector<16xf32>
      %div3A_462 = arith.divf %get3A_460, %div3A_461 : vector<16xf32>
      %convert_element_type3A = arith.fptosi %div3A_462 : vector<16xf32> to vector<16xi32>
      %max3A = arith.constant 0 : i32
      %max3A_463 = vector.broadcast %max3A : i32 to vector<16xi32>
      %max3A_464 = arith.maxsi %convert_element_type3A, %max3A_463 : vector<16xi32>
      %min3A = arith.constant 49999 : i32
      %min3A_465 = vector.broadcast %min3A : i32 to vector<16xi32>
      %min3A_466 = arith.minsi %max3A_464, %min3A_465 : vector<16xi32>
      %mul3A_467 = arith.constant 16 : i32
      %mul3A_468 = arith.muli %scan3A_454, %mul3A_467 : i32
      %swap3A = arith.index_cast %mul3A_468 : i32 to index
      %swap3A_469 = tpu.vector_load %arg6[%swap3A] {strides = array<i32>} : memref<128xi32, #tpu.memory_space<vmem>>, vector<16xi32>,
      %swap3A_470 = vector.shape_cast %swap3A_469 : vector<16xi32> to vector<16xi32>
      %swap3A_471 = vector.shape_cast %min3A_466 : vector<16xi32> to vector<16xi32>
      tpu.vector_store %arg6[%swap3A], %swap3A_471 {strides = array<i32>} : memref<128xi32, #tpu.memory_space<vmem>>, vector<16xi32>,
    }
    %scan3A_148 = arith.constant 8 : i32
    %dma_wait3A_149 = arith.constant 2 : i32
    %dma_wait3A_150 = arith.constant 0 : i32
    %dma_wait3A_151 = arith.constant 0 : i32
    %dma_wait3A_152 = tpu.memref_slice %arg14[%arg1, %dma_wait3A_149, %dma_wait3A_150, %dma_wait3A_151] : memref<16x4x128x128xf32, #tpu.memory_space<vmem_shared>> -> memref<1x1x128x128xf32, #tpu.memory_space<vmem_shared>>
    %dma_wait3A_153 = tpu.memref_squeeze %dma_wait3A_152 : memref<1x1x128x128xf32, #tpu.memory_space<vmem_shared>> -> memref<128x128xf32, #tpu.memory_space<vmem_shared>>
    %dma_wait3A_154 = arith.constant 0 : i32
    %dma_wait3A_155 = arith.constant 0 : i32
    %dma_wait3A_156 = tpu.memref_slice %arg14[%arg1, %dma_wait3A_149, %dma_wait3A_154, %dma_wait3A_155] : memref<16x4x128x128xf32, #tpu.memory_space<vmem_shared>> -> memref<1x1x128x128xf32, #tpu.memory_space<vmem_shared>>
    %dma_wait3A_157 = tpu.memref_squeeze %dma_wait3A_156 : memref<1x1x128x128xf32, #tpu.memory_space<vmem_shared>> -> memref<128x128xf32, #tpu.memory_space<vmem_shared>>
    tpu.wait_dma2 semaphore(%arg9 : memref<!tpu.dma_semaphore, #tpu.memory_space<semaphore_mem>>) src(%arg7 : memref<128x128xf32, #tpu.memory_space<vmem>>) dst(%dma_wait3A_157 : memref<128x128xf32, #tpu.memory_space<vmem_shared>>)
    %add3A_158 = arith.constant 256 : i32
    %add3A_159 = arith.addi %mul3A_2, %add3A_158 : i32
    %dma_start3A_160 = arith.constant 2 : i32
    %dma_start3A_161 = arith.constant 0 : i32
    %dma_start3A_162 = tpu.memref_slice %arg4[%add3A_159, %dma_start3A_161] : memref<819200x128xf32, #tpu.memory_space<hbm>> -> memref<128x128xf32, #tpu.memory_space<hbm>>
    %dma_start3A_163 = arith.constant 0 : i32
    %dma_start3A_164 = arith.constant 0 : i32
    %dma_start3A_165 = tpu.memref_slice %arg14[%arg1, %dma_start3A_160, %dma_start3A_163, %dma_start3A_164] : memref<16x4x128x128xf32, #tpu.memory_space<vmem_shared>> -> memref<1x1x128x128xf32, #tpu.memory_space<vmem_shared>>
    %dma_start3A_166 = tpu.memref_squeeze %dma_start3A_165 : memref<1x1x128x128xf32, #tpu.memory_space<vmem_shared>> -> memref<128x128xf32, #tpu.memory_space<vmem_shared>>
    tpu.enqueue_dma source(%dma_start3A_166 : memref<128x128xf32, #tpu.memory_space<vmem_shared>>) target(%dma_start3A_162 : memref<128x128xf32, #tpu.memory_space<hbm>>) target_semaphore(%arg17 : memref<!tpu.dma_semaphore, #tpu.memory_space<semaphore_mem>>)
    %dma_start3A_167 = arith.constant 0 : i32
    %dma_start3A_168 = arith.constant 0 : i32
    %dma_start3A_169 = tpu.memref_slice %arg7[%dma_start3A_167, %dma_start3A_168] : memref<128x128xf32, #tpu.memory_space<vmem>> -> memref<128x128xf32, #tpu.memory_space<vmem>>
    %dma_start3A_170 = arith.constant 0 : i32
    %dma_start3A_171 = tpu.memref_slice %arg6[%dma_start3A_170] : memref<128xi32, #tpu.memory_space<vmem>> -> memref<128xi32, #tpu.memory_space<vmem>>
    %dma_start3A_172 = arith.constant 0 : i32
    %dma_start3A_173 = arith.constant 0 : i32
    %dma_start3A_174 = tpu.memref_slice %arg3[%dma_start3A_172, %dma_start3A_173] : memref<50000x128xf32, #tpu.memory_space<hbm>> -> memref<50000x128xf32, #tpu.memory_space<hbm>>
    tpu.enqueue_indirect_dma source(%dma_start3A_174 : memref<50000x128xf32, #tpu.memory_space<hbm>>) target(%dma_start3A_169 : memref<128x128xf32, #tpu.memory_space<vmem>>) offsets(%dma_start3A_171 : memref<128xi32, #tpu.memory_space<vmem>>) semaphore(%arg8 : memref<!tpu.dma_semaphore, #tpu.memory_space<semaphore_mem>>)
    %dma_wait3A_175 = arith.constant 0 : i32
    %dma_wait3A_176 = arith.constant 0 : i32
    %dma_wait3A_177 = tpu.memref_slice %arg11[%dma_wait3A_175, %dma_wait3A_176] : memref<128x128xf32, #tpu.memory_space<vmem>> -> memref<128x128xf32, #tpu.memory_space<vmem>>
    %dma_wait3A_178 = arith.constant 0 : i32
    %dma_wait3A_179 = tpu.memref_slice %arg10[%dma_wait3A_178] : memref<128xi32, #tpu.memory_space<vmem>> -> memref<128xi32, #tpu.memory_space<vmem>>
    %dma_wait3A_180 = arith.constant 0 : i32
    %dma_wait3A_181 = arith.constant 0 : i32
    %dma_wait3A_182 = tpu.memref_slice %arg3[%dma_wait3A_180, %dma_wait3A_181] : memref<50000x128xf32, #tpu.memory_space<hbm>> -> memref<50000x128xf32, #tpu.memory_space<hbm>>
    tpu.wait_indirect_dma semaphore(%arg12 : memref<!tpu.dma_semaphore, #tpu.memory_space<semaphore_mem>>) src(%dma_wait3A_182 : memref<50000x128xf32, #tpu.memory_space<hbm>>) dst(%dma_wait3A_177 : memref<128x128xf32, #tpu.memory_space<vmem>>)
    %dma_start3A_183 = arith.constant 3 : i32
    %dma_start3A_184 = arith.constant 0 : i32
    %dma_start3A_185 = arith.constant 0 : i32
    %dma_start3A_186 = tpu.memref_slice %arg14[%arg1, %dma_start3A_183, %dma_start3A_184, %dma_start3A_185] : memref<16x4x128x128xf32, #tpu.memory_space<vmem_shared>> -> memref<1x1x128x128xf32, #tpu.memory_space<vmem_shared>>
    %dma_start3A_187 = tpu.memref_squeeze %dma_start3A_186 : memref<1x1x128x128xf32, #tpu.memory_space<vmem_shared>> -> memref<128x128xf32, #tpu.memory_space<vmem_shared>>
    %dma_start3A_188 = arith.constant 0 : i32
    %dma_start3A_189 = arith.constant 0 : i32
    %dma_start3A_190 = tpu.memref_slice %arg14[%arg1, %dma_start3A_183, %dma_start3A_188, %dma_start3A_189] : memref<16x4x128x128xf32, #tpu.memory_space<vmem_shared>> -> memref<1x1x128x128xf32, #tpu.memory_space<vmem_shared>>
    %dma_start3A_191 = tpu.memref_squeeze %dma_start3A_190 : memref<1x1x128x128xf32, #tpu.memory_space<vmem_shared>> -> memref<128x128xf32, #tpu.memory_space<vmem_shared>>
    tpu.enqueue_dma source(%arg11 : memref<128x128xf32, #tpu.memory_space<vmem>>) target(%dma_start3A_191 : memref<128x128xf32, #tpu.memory_space<vmem_shared>>) target_semaphore(%arg13 : memref<!tpu.dma_semaphore, #tpu.memory_space<semaphore_mem>>)
    %scan3A_192 = arith.constant 0 : i32
    %scan3A_193 = arith.constant 0 : i32
    %scan3A_194 = arith.constant 8 : i32
    %scan3A_195 = arith.addi %scan3A_193, %scan3A_194 : i32
    %scan3A_196 = arith.constant 1 : i32
    scf.for %scan3A_454 = %scan3A_193 to %scan3A_195 step %scan3A_196  : i32 {
      %mul3A_455 = arith.constant 16 : i32
      %mul3A_456 = arith.muli %scan3A_454, %mul3A_455 : i32
      %add3A_457 = arith.constant 640 : i32
      %add3A_458 = arith.addi %add3A_457, %mul3A_456 : i32
      %get3A = arith.index_cast %add3A_458 : i32 to index
      %get3A_459 = tpu.vector_load %arg5[%get3A] {strides = array<i32>} : memref<25600xf32, #tpu.memory_space<vmem>>, vector<16xf32>,
      %get3A_460 = vector.shape_cast %get3A_459 : vector<16xf32> to vector<16xf32>
      %div3A = arith.constant 2.000000e-05 : f32
      %div3A_461 = vector.broadcast %div3A : f32 to vector<16xf32>
      %div3A_462 = arith.divf %get3A_460, %div3A_461 : vector<16xf32>
      %convert_element_type3A = arith.fptosi %div3A_462 : vector<16xf32> to vector<16xi32>
      %max3A = arith.constant 0 : i32
      %max3A_463 = vector.broadcast %max3A : i32 to vector<16xi32>
      %max3A_464 = arith.maxsi %convert_element_type3A, %max3A_463 : vector<16xi32>
      %min3A = arith.constant 49999 : i32
      %min3A_465 = vector.broadcast %min3A : i32 to vector<16xi32>
      %min3A_466 = arith.minsi %max3A_464, %min3A_465 : vector<16xi32>
      %mul3A_467 = arith.constant 16 : i32
      %mul3A_468 = arith.muli %scan3A_454, %mul3A_467 : i32
      %swap3A = arith.index_cast %mul3A_468 : i32 to index
      %swap3A_469 = tpu.vector_load %arg10[%swap3A] {strides = array<i32>} : memref<128xi32, #tpu.memory_space<vmem>>, vector<16xi32>,
      %swap3A_470 = vector.shape_cast %swap3A_469 : vector<16xi32> to vector<16xi32>
      %swap3A_471 = vector.shape_cast %min3A_466 : vector<16xi32> to vector<16xi32>
      tpu.vector_store %arg10[%swap3A], %swap3A_471 {strides = array<i32>} : memref<128xi32, #tpu.memory_space<vmem>>, vector<16xi32>,
    }
    %scan3A_197 = arith.constant 8 : i32
    %dma_wait3A_198 = arith.constant 3 : i32
    %dma_wait3A_199 = arith.constant 0 : i32
    %dma_wait3A_200 = arith.constant 0 : i32
    %dma_wait3A_201 = tpu.memref_slice %arg14[%arg1, %dma_wait3A_198, %dma_wait3A_199, %dma_wait3A_200] : memref<16x4x128x128xf32, #tpu.memory_space<vmem_shared>> -> memref<1x1x128x128xf32, #tpu.memory_space<vmem_shared>>
    %dma_wait3A_202 = tpu.memref_squeeze %dma_wait3A_201 : memref<1x1x128x128xf32, #tpu.memory_space<vmem_shared>> -> memref<128x128xf32, #tpu.memory_space<vmem_shared>>
    %dma_wait3A_203 = arith.constant 0 : i32
    %dma_wait3A_204 = arith.constant 0 : i32
    %dma_wait3A_205 = tpu.memref_slice %arg14[%arg1, %dma_wait3A_198, %dma_wait3A_203, %dma_wait3A_204] : memref<16x4x128x128xf32, #tpu.memory_space<vmem_shared>> -> memref<1x1x128x128xf32, #tpu.memory_space<vmem_shared>>
    %dma_wait3A_206 = tpu.memref_squeeze %dma_wait3A_205 : memref<1x1x128x128xf32, #tpu.memory_space<vmem_shared>> -> memref<128x128xf32, #tpu.memory_space<vmem_shared>>
    tpu.wait_dma2 semaphore(%arg13 : memref<!tpu.dma_semaphore, #tpu.memory_space<semaphore_mem>>) src(%arg11 : memref<128x128xf32, #tpu.memory_space<vmem>>) dst(%dma_wait3A_206 : memref<128x128xf32, #tpu.memory_space<vmem_shared>>)
    %add3A_207 = arith.constant 384 : i32
    %add3A_208 = arith.addi %mul3A_2, %add3A_207 : i32
    %dma_start3A_209 = arith.constant 3 : i32
    %dma_start3A_210 = arith.constant 0 : i32
    %dma_start3A_211 = tpu.memref_slice %arg4[%add3A_208, %dma_start3A_210] : memref<819200x128xf32, #tpu.memory_space<hbm>> -> memref<128x128xf32, #tpu.memory_space<hbm>>
    %dma_start3A_212 = arith.constant 0 : i32
    %dma_start3A_213 = arith.constant 0 : i32
    %dma_start3A_214 = tpu.memref_slice %arg14[%arg1, %dma_start3A_209, %dma_start3A_212, %dma_start3A_213] : memref<16x4x128x128xf32, #tpu.memory_space<vmem_shared>> -> memref<1x1x128x128xf32, #tpu.memory_space<vmem_shared>>
    %dma_start3A_215 = tpu.memref_squeeze %dma_start3A_214 : memref<1x1x128x128xf32, #tpu.memory_space<vmem_shared>> -> memref<128x128xf32, #tpu.memory_space<vmem_shared>>
    tpu.enqueue_dma source(%dma_start3A_215 : memref<128x128xf32, #tpu.memory_space<vmem_shared>>) target(%dma_start3A_211 : memref<128x128xf32, #tpu.memory_space<hbm>>) target_semaphore(%arg18 : memref<!tpu.dma_semaphore, #tpu.memory_space<semaphore_mem>>)
    %dma_start3A_216 = arith.constant 0 : i32
    %dma_start3A_217 = arith.constant 0 : i32
    %dma_start3A_218 = tpu.memref_slice %arg11[%dma_start3A_216, %dma_start3A_217] : memref<128x128xf32, #tpu.memory_space<vmem>> -> memref<128x128xf32, #tpu.memory_space<vmem>>
    %dma_start3A_219 = arith.constant 0 : i32
    %dma_start3A_220 = tpu.memref_slice %arg10[%dma_start3A_219] : memref<128xi32, #tpu.memory_space<vmem>> -> memref<128xi32, #tpu.memory_space<vmem>>
    %dma_start3A_221 = arith.constant 0 : i32
    %dma_start3A_222 = arith.constant 0 : i32
    %dma_start3A_223 = tpu.memref_slice %arg3[%dma_start3A_221, %dma_start3A_222] : memref<50000x128xf32, #tpu.memory_space<hbm>> -> memref<50000x128xf32, #tpu.memory_space<hbm>>
    tpu.enqueue_indirect_dma source(%dma_start3A_223 : memref<50000x128xf32, #tpu.memory_space<hbm>>) target(%dma_start3A_218 : memref<128x128xf32, #tpu.memory_space<vmem>>) offsets(%dma_start3A_220 : memref<128xi32, #tpu.memory_space<vmem>>) semaphore(%arg12 : memref<!tpu.dma_semaphore, #tpu.memory_space<semaphore_mem>>)
    %scan3A_224 = arith.constant 0 : i32
    %scan3A_225 = arith.constant 1 : i32
    %scan3A_226 = arith.constant 48 : i32
    %scan3A_227 = arith.addi %scan3A_225, %scan3A_226 : i32
    %scan3A_228 = arith.constant 1 : i32
    scf.for %scan3A_454 = %scan3A_225 to %scan3A_227 step %scan3A_228  : i32 {
      %mul3A_455 = arith.constant 4 : i32
      %mul3A_456 = arith.muli %scan3A_454, %mul3A_455 : i32
      %add3A_457 = arith.constant 0 : i32
      %add3A_458 = arith.addi %mul3A_456, %add3A_457 : i32
      %dma_wait3A_459 = arith.constant 0 : i32
      %dma_wait3A_460 = arith.constant 0 : i32
      %dma_wait3A_461 = tpu.memref_slice %arg7[%dma_wait3A_459, %dma_wait3A_460] : memref<128x128xf32, #tpu.memory_space<vmem>> -> memref<128x128xf32, #tpu.memory_space<vmem>>
      %dma_wait3A_462 = arith.constant 0 : i32
      %dma_wait3A_463 = tpu.memref_slice %arg6[%dma_wait3A_462] : memref<128xi32, #tpu.memory_space<vmem>> -> memref<128xi32, #tpu.memory_space<vmem>>
      %dma_wait3A_464 = arith.constant 0 : i32
      %dma_wait3A_465 = arith.constant 0 : i32
      %dma_wait3A_466 = tpu.memref_slice %arg3[%dma_wait3A_464, %dma_wait3A_465] : memref<50000x128xf32, #tpu.memory_space<hbm>> -> memref<50000x128xf32, #tpu.memory_space<hbm>>
      tpu.wait_indirect_dma semaphore(%arg8 : memref<!tpu.dma_semaphore, #tpu.memory_space<semaphore_mem>>) src(%dma_wait3A_466 : memref<50000x128xf32, #tpu.memory_space<hbm>>) dst(%dma_wait3A_461 : memref<128x128xf32, #tpu.memory_space<vmem>>)
      %dma_wait3A_467 = arith.constant 0 : i32
      %dma_wait3A_468 = arith.constant 0 : i32
      %dma_wait3A_469 = tpu.memref_slice %arg4[%mul3A_2, %dma_wait3A_468] : memref<819200x128xf32, #tpu.memory_space<hbm>> -> memref<128x128xf32, #tpu.memory_space<hbm>>
      %dma_wait3A_470 = arith.constant 0 : i32
      %dma_wait3A_471 = arith.constant 0 : i32
      %dma_wait3A_472 = tpu.memref_slice %arg14[%arg1, %dma_wait3A_467, %dma_wait3A_470, %dma_wait3A_471] : memref<16x4x128x128xf32, #tpu.memory_space<vmem_shared>> -> memref<1x1x128x128xf32, #tpu.memory_space<vmem_shared>>
      %dma_wait3A_473 = tpu.memref_squeeze %dma_wait3A_472 : memref<1x1x128x128xf32, #tpu.memory_space<vmem_shared>> -> memref<128x128xf32, #tpu.memory_space<vmem_shared>>
      tpu.wait_dma2 semaphore(%arg15 : memref<!tpu.dma_semaphore, #tpu.memory_space<semaphore_mem>>) src(%dma_wait3A_473 : memref<128x128xf32, #tpu.memory_space<vmem_shared>>) dst(%dma_wait3A_469 : memref<128x128xf32, #tpu.memory_space<hbm>>)
      %dma_start3A_474 = arith.constant 0 : i32
      %dma_start3A_475 = arith.constant 0 : i32
      %dma_start3A_476 = arith.constant 0 : i32
      %dma_start3A_477 = tpu.memref_slice %arg14[%arg1, %dma_start3A_474, %dma_start3A_475, %dma_start3A_476] : memref<16x4x128x128xf32, #tpu.memory_space<vmem_shared>> -> memref<1x1x128x128xf32, #tpu.memory_space<vmem_shared>>
      %dma_start3A_478 = tpu.memref_squeeze %dma_start3A_477 : memref<1x1x128x128xf32, #tpu.memory_space<vmem_shared>> -> memref<128x128xf32, #tpu.memory_space<vmem_shared>>
      %dma_start3A_479 = arith.constant 0 : i32
      %dma_start3A_480 = arith.constant 0 : i32
      %dma_start3A_481 = tpu.memref_slice %arg14[%arg1, %dma_start3A_474, %dma_start3A_479, %dma_start3A_480] : memref<16x4x128x128xf32, #tpu.memory_space<vmem_shared>> -> memref<1x1x128x128xf32, #tpu.memory_space<vmem_shared>>
      %dma_start3A_482 = tpu.memref_squeeze %dma_start3A_481 : memref<1x1x128x128xf32, #tpu.memory_space<vmem_shared>> -> memref<128x128xf32, #tpu.memory_space<vmem_shared>>
      tpu.enqueue_dma source(%arg7 : memref<128x128xf32, #tpu.memory_space<vmem>>) target(%dma_start3A_482 : memref<128x128xf32, #tpu.memory_space<vmem_shared>>) target_semaphore(%arg9 : memref<!tpu.dma_semaphore, #tpu.memory_space<semaphore_mem>>)
      %add3A_483 = arith.constant 2 : i32
      %add3A_484 = arith.addi %add3A_458, %add3A_483 : i32
      %scan3A_485 = arith.constant 0 : i32
      %scan3A_486 = arith.constant 0 : i32
      %scan3A_487 = arith.constant 8 : i32
      %scan3A_488 = arith.addi %scan3A_486, %scan3A_487 : i32
      %scan3A_489 = arith.constant 1 : i32
      scf.for %scan3A_707 = %scan3A_486 to %scan3A_488 step %scan3A_489  : i32 {
        %mul3A_708 = arith.constant 128 : i32
        %mul3A_709 = arith.muli %add3A_484, %mul3A_708 : i32
        %mul3A_710 = arith.constant 16 : i32
        %mul3A_711 = arith.muli %scan3A_707, %mul3A_710 : i32
        %add3A_712 = arith.addi %mul3A_709, %mul3A_711 : i32
        %get3A = arith.index_cast %add3A_712 : i32 to index
        %get3A_713 = tpu.vector_load %arg5[%get3A] {strides = array<i32>} : memref<25600xf32, #tpu.memory_space<vmem>>, vector<16xf32>,
        %get3A_714 = vector.shape_cast %get3A_713 : vector<16xf32> to vector<16xf32>
        %div3A = arith.constant 2.000000e-05 : f32
        %div3A_715 = vector.broadcast %div3A : f32 to vector<16xf32>
        %div3A_716 = arith.divf %get3A_714, %div3A_715 : vector<16xf32>
        %convert_element_type3A = arith.fptosi %div3A_716 : vector<16xf32> to vector<16xi32>
        %max3A = arith.constant 0 : i32
        %max3A_717 = vector.broadcast %max3A : i32 to vector<16xi32>
        %max3A_718 = arith.maxsi %convert_element_type3A, %max3A_717 : vector<16xi32>
        %min3A = arith.constant 49999 : i32
        %min3A_719 = vector.broadcast %min3A : i32 to vector<16xi32>
        %min3A_720 = arith.minsi %max3A_718, %min3A_719 : vector<16xi32>
        %mul3A_721 = arith.constant 16 : i32
        %mul3A_722 = arith.muli %scan3A_707, %mul3A_721 : i32
        %swap3A = arith.index_cast %mul3A_722 : i32 to index
        %swap3A_723 = tpu.vector_load %arg6[%swap3A] {strides = array<i32>} : memref<128xi32, #tpu.memory_space<vmem>>, vector<16xi32>,
        %swap3A_724 = vector.shape_cast %swap3A_723 : vector<16xi32> to vector<16xi32>
        %swap3A_725 = vector.shape_cast %min3A_720 : vector<16xi32> to vector<16xi32>
        tpu.vector_store %arg6[%swap3A], %swap3A_725 {strides = array<i32>} : memref<128xi32, #tpu.memory_space<vmem>>, vector<16xi32>,
      }
      %scan3A_490 = arith.constant 8 : i32
      %dma_wait3A_491 = arith.constant 0 : i32
      %dma_wait3A_492 = arith.constant 0 : i32
      %dma_wait3A_493 = arith.constant 0 : i32
      %dma_wait3A_494 = tpu.memref_slice %arg14[%arg1, %dma_wait3A_491, %dma_wait3A_492, %dma_wait3A_493] : memref<16x4x128x128xf32, #tpu.memory_space<vmem_shared>> -> memref<1x1x128x128xf32, #tpu.memory_space<vmem_shared>>
      %dma_wait3A_495 = tpu.memref_squeeze %dma_wait3A_494 : memref<1x1x128x128xf32, #tpu.memory_space<vmem_shared>> -> memref<128x128xf32, #tpu.memory_space<vmem_shared>>
      %dma_wait3A_496 = arith.constant 0 : i32
      %dma_wait3A_497 = arith.constant 0 : i32
      %dma_wait3A_498 = tpu.memref_slice %arg14[%arg1, %dma_wait3A_491, %dma_wait3A_496, %dma_wait3A_497] : memref<16x4x128x128xf32, #tpu.memory_space<vmem_shared>> -> memref<1x1x128x128xf32, #tpu.memory_space<vmem_shared>>
      %dma_wait3A_499 = tpu.memref_squeeze %dma_wait3A_498 : memref<1x1x128x128xf32, #tpu.memory_space<vmem_shared>> -> memref<128x128xf32, #tpu.memory_space<vmem_shared>>
      tpu.wait_dma2 semaphore(%arg9 : memref<!tpu.dma_semaphore, #tpu.memory_space<semaphore_mem>>) src(%arg7 : memref<128x128xf32, #tpu.memory_space<vmem>>) dst(%dma_wait3A_499 : memref<128x128xf32, #tpu.memory_space<vmem_shared>>)
      %mul3A_500 = arith.constant 128 : i32
      %mul3A_501 = arith.muli %add3A_458, %mul3A_500 : i32
      %add3A_502 = arith.addi %mul3A_2, %mul3A_501 : i32
      %dma_start3A_503 = arith.constant 0 : i32
      %dma_start3A_504 = arith.constant 0 : i32
      %dma_start3A_505 = tpu.memref_slice %arg4[%add3A_502, %dma_start3A_504] : memref<819200x128xf32, #tpu.memory_space<hbm>> -> memref<128x128xf32, #tpu.memory_space<hbm>>
      %dma_start3A_506 = arith.constant 0 : i32
      %dma_start3A_507 = arith.constant 0 : i32
      %dma_start3A_508 = tpu.memref_slice %arg14[%arg1, %dma_start3A_503, %dma_start3A_506, %dma_start3A_507] : memref<16x4x128x128xf32, #tpu.memory_space<vmem_shared>> -> memref<1x1x128x128xf32, #tpu.memory_space<vmem_shared>>
      %dma_start3A_509 = tpu.memref_squeeze %dma_start3A_508 : memref<1x1x128x128xf32, #tpu.memory_space<vmem_shared>> -> memref<128x128xf32, #tpu.memory_space<vmem_shared>>
      tpu.enqueue_dma source(%dma_start3A_509 : memref<128x128xf32, #tpu.memory_space<vmem_shared>>) target(%dma_start3A_505 : memref<128x128xf32, #tpu.memory_space<hbm>>) target_semaphore(%arg15 : memref<!tpu.dma_semaphore, #tpu.memory_space<semaphore_mem>>)
      %dma_start3A_510 = arith.constant 0 : i32
      %dma_start3A_511 = arith.constant 0 : i32
      %dma_start3A_512 = tpu.memref_slice %arg7[%dma_start3A_510, %dma_start3A_511] : memref<128x128xf32, #tpu.memory_space<vmem>> -> memref<128x128xf32, #tpu.memory_space<vmem>>
      %dma_start3A_513 = arith.constant 0 : i32
      %dma_start3A_514 = tpu.memref_slice %arg6[%dma_start3A_513] : memref<128xi32, #tpu.memory_space<vmem>> -> memref<128xi32, #tpu.memory_space<vmem>>
      %dma_start3A_515 = arith.constant 0 : i32
      %dma_start3A_516 = arith.constant 0 : i32
      %dma_start3A_517 = tpu.memref_slice %arg3[%dma_start3A_515, %dma_start3A_516] : memref<50000x128xf32, #tpu.memory_space<hbm>> -> memref<50000x128xf32, #tpu.memory_space<hbm>>
      tpu.enqueue_indirect_dma source(%dma_start3A_517 : memref<50000x128xf32, #tpu.memory_space<hbm>>) target(%dma_start3A_512 : memref<128x128xf32, #tpu.memory_space<vmem>>) offsets(%dma_start3A_514 : memref<128xi32, #tpu.memory_space<vmem>>) semaphore(%arg8 : memref<!tpu.dma_semaphore, #tpu.memory_space<semaphore_mem>>)
      %mul3A_518 = arith.constant 4 : i32
      %mul3A_519 = arith.muli %scan3A_454, %mul3A_518 : i32
      %add3A_520 = arith.constant 1 : i32
      %add3A_521 = arith.addi %mul3A_519, %add3A_520 : i32
      %dma_wait3A_522 = arith.constant 0 : i32
      %dma_wait3A_523 = arith.constant 0 : i32
      %dma_wait3A_524 = tpu.memref_slice %arg11[%dma_wait3A_522, %dma_wait3A_523] : memref<128x128xf32, #tpu.memory_space<vmem>> -> memref<128x128xf32, #tpu.memory_space<vmem>>
      %dma_wait3A_525 = arith.constant 0 : i32
      %dma_wait3A_526 = tpu.memref_slice %arg10[%dma_wait3A_525] : memref<128xi32, #tpu.memory_space<vmem>> -> memref<128xi32, #tpu.memory_space<vmem>>
      %dma_wait3A_527 = arith.constant 0 : i32
      %dma_wait3A_528 = arith.constant 0 : i32
      %dma_wait3A_529 = tpu.memref_slice %arg3[%dma_wait3A_527, %dma_wait3A_528] : memref<50000x128xf32, #tpu.memory_space<hbm>> -> memref<50000x128xf32, #tpu.memory_space<hbm>>
      tpu.wait_indirect_dma semaphore(%arg12 : memref<!tpu.dma_semaphore, #tpu.memory_space<semaphore_mem>>) src(%dma_wait3A_529 : memref<50000x128xf32, #tpu.memory_space<hbm>>) dst(%dma_wait3A_524 : memref<128x128xf32, #tpu.memory_space<vmem>>)
      %dma_wait3A_530 = arith.constant 1 : i32
      %dma_wait3A_531 = arith.constant 0 : i32
      %dma_wait3A_532 = tpu.memref_slice %arg4[%mul3A_2, %dma_wait3A_531] : memref<819200x128xf32, #tpu.memory_space<hbm>> -> memref<128x128xf32, #tpu.memory_space<hbm>>
      %dma_wait3A_533 = arith.constant 0 : i32
      %dma_wait3A_534 = arith.constant 0 : i32
      %dma_wait3A_535 = tpu.memref_slice %arg14[%arg1, %dma_wait3A_530, %dma_wait3A_533, %dma_wait3A_534] : memref<16x4x128x128xf32, #tpu.memory_space<vmem_shared>> -> memref<1x1x128x128xf32, #tpu.memory_space<vmem_shared>>
      %dma_wait3A_536 = tpu.memref_squeeze %dma_wait3A_535 : memref<1x1x128x128xf32, #tpu.memory_space<vmem_shared>> -> memref<128x128xf32, #tpu.memory_space<vmem_shared>>
      tpu.wait_dma2 semaphore(%arg16 : memref<!tpu.dma_semaphore, #tpu.memory_space<semaphore_mem>>) src(%dma_wait3A_536 : memref<128x128xf32, #tpu.memory_space<vmem_shared>>) dst(%dma_wait3A_532 : memref<128x128xf32, #tpu.memory_space<hbm>>)
      %dma_start3A_537 = arith.constant 1 : i32
      %dma_start3A_538 = arith.constant 0 : i32
      %dma_start3A_539 = arith.constant 0 : i32
      %dma_start3A_540 = tpu.memref_slice %arg14[%arg1, %dma_start3A_537, %dma_start3A_538, %dma_start3A_539] : memref<16x4x128x128xf32, #tpu.memory_space<vmem_shared>> -> memref<1x1x128x128xf32, #tpu.memory_space<vmem_shared>>
      %dma_start3A_541 = tpu.memref_squeeze %dma_start3A_540 : memref<1x1x128x128xf32, #tpu.memory_space<vmem_shared>> -> memref<128x128xf32, #tpu.memory_space<vmem_shared>>
      %dma_start3A_542 = arith.constant 0 : i32
      %dma_start3A_543 = arith.constant 0 : i32
      %dma_start3A_544 = tpu.memref_slice %arg14[%arg1, %dma_start3A_537, %dma_start3A_542, %dma_start3A_543] : memref<16x4x128x128xf32, #tpu.memory_space<vmem_shared>> -> memref<1x1x128x128xf32, #tpu.memory_space<vmem_shared>>
      %dma_start3A_545 = tpu.memref_squeeze %dma_start3A_544 : memref<1x1x128x128xf32, #tpu.memory_space<vmem_shared>> -> memref<128x128xf32, #tpu.memory_space<vmem_shared>>
      tpu.enqueue_dma source(%arg11 : memref<128x128xf32, #tpu.memory_space<vmem>>) target(%dma_start3A_545 : memref<128x128xf32, #tpu.memory_space<vmem_shared>>) target_semaphore(%arg13 : memref<!tpu.dma_semaphore, #tpu.memory_space<semaphore_mem>>)
      %add3A_546 = arith.constant 2 : i32
      %add3A_547 = arith.addi %add3A_521, %add3A_546 : i32
      %scan3A_548 = arith.constant 0 : i32
      %scan3A_549 = arith.constant 0 : i32
      %scan3A_550 = arith.constant 8 : i32
      %scan3A_551 = arith.addi %scan3A_549, %scan3A_550 : i32
      %scan3A_552 = arith.constant 1 : i32
      scf.for %scan3A_707 = %scan3A_549 to %scan3A_551 step %scan3A_552  : i32 {
        %mul3A_708 = arith.constant 128 : i32
        %mul3A_709 = arith.muli %add3A_547, %mul3A_708 : i32
        %mul3A_710 = arith.constant 16 : i32
        %mul3A_711 = arith.muli %scan3A_707, %mul3A_710 : i32
        %add3A_712 = arith.addi %mul3A_709, %mul3A_711 : i32
        %get3A = arith.index_cast %add3A_712 : i32 to index
        %get3A_713 = tpu.vector_load %arg5[%get3A] {strides = array<i32>} : memref<25600xf32, #tpu.memory_space<vmem>>, vector<16xf32>,
        %get3A_714 = vector.shape_cast %get3A_713 : vector<16xf32> to vector<16xf32>
        %div3A = arith.constant 2.000000e-05 : f32
        %div3A_715 = vector.broadcast %div3A : f32 to vector<16xf32>
        %div3A_716 = arith.divf %get3A_714, %div3A_715 : vector<16xf32>
        %convert_element_type3A = arith.fptosi %div3A_716 : vector<16xf32> to vector<16xi32>
        %max3A = arith.constant 0 : i32
        %max3A_717 = vector.broadcast %max3A : i32 to vector<16xi32>
        %max3A_718 = arith.maxsi %convert_element_type3A, %max3A_717 : vector<16xi32>
        %min3A = arith.constant 49999 : i32
        %min3A_719 = vector.broadcast %min3A : i32 to vector<16xi32>
        %min3A_720 = arith.minsi %max3A_718, %min3A_719 : vector<16xi32>
        %mul3A_721 = arith.constant 16 : i32
        %mul3A_722 = arith.muli %scan3A_707, %mul3A_721 : i32
        %swap3A = arith.index_cast %mul3A_722 : i32 to index
        %swap3A_723 = tpu.vector_load %arg10[%swap3A] {strides = array<i32>} : memref<128xi32, #tpu.memory_space<vmem>>, vector<16xi32>,
        %swap3A_724 = vector.shape_cast %swap3A_723 : vector<16xi32> to vector<16xi32>
        %swap3A_725 = vector.shape_cast %min3A_720 : vector<16xi32> to vector<16xi32>
        tpu.vector_store %arg10[%swap3A], %swap3A_725 {strides = array<i32>} : memref<128xi32, #tpu.memory_space<vmem>>, vector<16xi32>,
      }
      %scan3A_553 = arith.constant 8 : i32
      %dma_wait3A_554 = arith.constant 1 : i32
      %dma_wait3A_555 = arith.constant 0 : i32
      %dma_wait3A_556 = arith.constant 0 : i32
      %dma_wait3A_557 = tpu.memref_slice %arg14[%arg1, %dma_wait3A_554, %dma_wait3A_555, %dma_wait3A_556] : memref<16x4x128x128xf32, #tpu.memory_space<vmem_shared>> -> memref<1x1x128x128xf32, #tpu.memory_space<vmem_shared>>
      %dma_wait3A_558 = tpu.memref_squeeze %dma_wait3A_557 : memref<1x1x128x128xf32, #tpu.memory_space<vmem_shared>> -> memref<128x128xf32, #tpu.memory_space<vmem_shared>>
      %dma_wait3A_559 = arith.constant 0 : i32
      %dma_wait3A_560 = arith.constant 0 : i32
      %dma_wait3A_561 = tpu.memref_slice %arg14[%arg1, %dma_wait3A_554, %dma_wait3A_559, %dma_wait3A_560] : memref<16x4x128x128xf32, #tpu.memory_space<vmem_shared>> -> memref<1x1x128x128xf32, #tpu.memory_space<vmem_shared>>
      %dma_wait3A_562 = tpu.memref_squeeze %dma_wait3A_561 : memref<1x1x128x128xf32, #tpu.memory_space<vmem_shared>> -> memref<128x128xf32, #tpu.memory_space<vmem_shared>>
      tpu.wait_dma2 semaphore(%arg13 : memref<!tpu.dma_semaphore, #tpu.memory_space<semaphore_mem>>) src(%arg11 : memref<128x128xf32, #tpu.memory_space<vmem>>) dst(%dma_wait3A_562 : memref<128x128xf32, #tpu.memory_space<vmem_shared>>)
      %mul3A_563 = arith.constant 128 : i32
      %mul3A_564 = arith.muli %add3A_521, %mul3A_563 : i32
      %add3A_565 = arith.addi %mul3A_2, %mul3A_564 : i32
      %dma_start3A_566 = arith.constant 1 : i32
      %dma_start3A_567 = arith.constant 0 : i32
      %dma_start3A_568 = tpu.memref_slice %arg4[%add3A_565, %dma_start3A_567] : memref<819200x128xf32, #tpu.memory_space<hbm>> -> memref<128x128xf32, #tpu.memory_space<hbm>>
      %dma_start3A_569 = arith.constant 0 : i32
      %dma_start3A_570 = arith.constant 0 : i32
      %dma_start3A_571 = tpu.memref_slice %arg14[%arg1, %dma_start3A_566, %dma_start3A_569, %dma_start3A_570] : memref<16x4x128x128xf32, #tpu.memory_space<vmem_shared>> -> memref<1x1x128x128xf32, #tpu.memory_space<vmem_shared>>
      %dma_start3A_572 = tpu.memref_squeeze %dma_start3A_571 : memref<1x1x128x128xf32, #tpu.memory_space<vmem_shared>> -> memref<128x128xf32, #tpu.memory_space<vmem_shared>>
      tpu.enqueue_dma source(%dma_start3A_572 : memref<128x128xf32, #tpu.memory_space<vmem_shared>>) target(%dma_start3A_568 : memref<128x128xf32, #tpu.memory_space<hbm>>) target_semaphore(%arg16 : memref<!tpu.dma_semaphore, #tpu.memory_space<semaphore_mem>>)
      %dma_start3A_573 = arith.constant 0 : i32
      %dma_start3A_574 = arith.constant 0 : i32
      %dma_start3A_575 = tpu.memref_slice %arg11[%dma_start3A_573, %dma_start3A_574] : memref<128x128xf32, #tpu.memory_space<vmem>> -> memref<128x128xf32, #tpu.memory_space<vmem>>
      %dma_start3A_576 = arith.constant 0 : i32
      %dma_start3A_577 = tpu.memref_slice %arg10[%dma_start3A_576] : memref<128xi32, #tpu.memory_space<vmem>> -> memref<128xi32, #tpu.memory_space<vmem>>
      %dma_start3A_578 = arith.constant 0 : i32
      %dma_start3A_579 = arith.constant 0 : i32
      %dma_start3A_580 = tpu.memref_slice %arg3[%dma_start3A_578, %dma_start3A_579] : memref<50000x128xf32, #tpu.memory_space<hbm>> -> memref<50000x128xf32, #tpu.memory_space<hbm>>
      tpu.enqueue_indirect_dma source(%dma_start3A_580 : memref<50000x128xf32, #tpu.memory_space<hbm>>) target(%dma_start3A_575 : memref<128x128xf32, #tpu.memory_space<vmem>>) offsets(%dma_start3A_577 : memref<128xi32, #tpu.memory_space<vmem>>) semaphore(%arg12 : memref<!tpu.dma_semaphore, #tpu.memory_space<semaphore_mem>>)
      %mul3A_581 = arith.constant 4 : i32
      %mul3A_582 = arith.muli %scan3A_454, %mul3A_581 : i32
      %add3A_583 = arith.constant 2 : i32
      %add3A_584 = arith.addi %mul3A_582, %add3A_583 : i32
      %dma_wait3A_585 = arith.constant 0 : i32
      %dma_wait3A_586 = arith.constant 0 : i32
      %dma_wait3A_587 = tpu.memref_slice %arg7[%dma_wait3A_585, %dma_wait3A_586] : memref<128x128xf32, #tpu.memory_space<vmem>> -> memref<128x128xf32, #tpu.memory_space<vmem>>
      %dma_wait3A_588 = arith.constant 0 : i32
      %dma_wait3A_589 = tpu.memref_slice %arg6[%dma_wait3A_588] : memref<128xi32, #tpu.memory_space<vmem>> -> memref<128xi32, #tpu.memory_space<vmem>>
      %dma_wait3A_590 = arith.constant 0 : i32
      %dma_wait3A_591 = arith.constant 0 : i32
      %dma_wait3A_592 = tpu.memref_slice %arg3[%dma_wait3A_590, %dma_wait3A_591] : memref<50000x128xf32, #tpu.memory_space<hbm>> -> memref<50000x128xf32, #tpu.memory_space<hbm>>
      tpu.wait_indirect_dma semaphore(%arg8 : memref<!tpu.dma_semaphore, #tpu.memory_space<semaphore_mem>>) src(%dma_wait3A_592 : memref<50000x128xf32, #tpu.memory_space<hbm>>) dst(%dma_wait3A_587 : memref<128x128xf32, #tpu.memory_space<vmem>>)
      %dma_wait3A_593 = arith.constant 2 : i32
      %dma_wait3A_594 = arith.constant 0 : i32
      %dma_wait3A_595 = tpu.memref_slice %arg4[%mul3A_2, %dma_wait3A_594] : memref<819200x128xf32, #tpu.memory_space<hbm>> -> memref<128x128xf32, #tpu.memory_space<hbm>>
      %dma_wait3A_596 = arith.constant 0 : i32
      %dma_wait3A_597 = arith.constant 0 : i32
      %dma_wait3A_598 = tpu.memref_slice %arg14[%arg1, %dma_wait3A_593, %dma_wait3A_596, %dma_wait3A_597] : memref<16x4x128x128xf32, #tpu.memory_space<vmem_shared>> -> memref<1x1x128x128xf32, #tpu.memory_space<vmem_shared>>
      %dma_wait3A_599 = tpu.memref_squeeze %dma_wait3A_598 : memref<1x1x128x128xf32, #tpu.memory_space<vmem_shared>> -> memref<128x128xf32, #tpu.memory_space<vmem_shared>>
      tpu.wait_dma2 semaphore(%arg17 : memref<!tpu.dma_semaphore, #tpu.memory_space<semaphore_mem>>) src(%dma_wait3A_599 : memref<128x128xf32, #tpu.memory_space<vmem_shared>>) dst(%dma_wait3A_595 : memref<128x128xf32, #tpu.memory_space<hbm>>)
      %dma_start3A_600 = arith.constant 2 : i32
      %dma_start3A_601 = arith.constant 0 : i32
      %dma_start3A_602 = arith.constant 0 : i32
      %dma_start3A_603 = tpu.memref_slice %arg14[%arg1, %dma_start3A_600, %dma_start3A_601, %dma_start3A_602] : memref<16x4x128x128xf32, #tpu.memory_space<vmem_shared>> -> memref<1x1x128x128xf32, #tpu.memory_space<vmem_shared>>
      %dma_start3A_604 = tpu.memref_squeeze %dma_start3A_603 : memref<1x1x128x128xf32, #tpu.memory_space<vmem_shared>> -> memref<128x128xf32, #tpu.memory_space<vmem_shared>>
      %dma_start3A_605 = arith.constant 0 : i32
      %dma_start3A_606 = arith.constant 0 : i32
      %dma_start3A_607 = tpu.memref_slice %arg14[%arg1, %dma_start3A_600, %dma_start3A_605, %dma_start3A_606] : memref<16x4x128x128xf32, #tpu.memory_space<vmem_shared>> -> memref<1x1x128x128xf32, #tpu.memory_space<vmem_shared>>
      %dma_start3A_608 = tpu.memref_squeeze %dma_start3A_607 : memref<1x1x128x128xf32, #tpu.memory_space<vmem_shared>> -> memref<128x128xf32, #tpu.memory_space<vmem_shared>>
      tpu.enqueue_dma source(%arg7 : memref<128x128xf32, #tpu.memory_space<vmem>>) target(%dma_start3A_608 : memref<128x128xf32, #tpu.memory_space<vmem_shared>>) target_semaphore(%arg9 : memref<!tpu.dma_semaphore, #tpu.memory_space<semaphore_mem>>)
      %add3A_609 = arith.constant 2 : i32
      %add3A_610 = arith.addi %add3A_584, %add3A_609 : i32
      %scan3A_611 = arith.constant 0 : i32
      %scan3A_612 = arith.constant 0 : i32
      %scan3A_613 = arith.constant 8 : i32
      %scan3A_614 = arith.addi %scan3A_612, %scan3A_613 : i32
      %scan3A_615 = arith.constant 1 : i32
      scf.for %scan3A_707 = %scan3A_612 to %scan3A_614 step %scan3A_615  : i32 {
        %mul3A_708 = arith.constant 128 : i32
        %mul3A_709 = arith.muli %add3A_610, %mul3A_708 : i32
        %mul3A_710 = arith.constant 16 : i32
        %mul3A_711 = arith.muli %scan3A_707, %mul3A_710 : i32
        %add3A_712 = arith.addi %mul3A_709, %mul3A_711 : i32
        %get3A = arith.index_cast %add3A_712 : i32 to index
        %get3A_713 = tpu.vector_load %arg5[%get3A] {strides = array<i32>} : memref<25600xf32, #tpu.memory_space<vmem>>, vector<16xf32>,
        %get3A_714 = vector.shape_cast %get3A_713 : vector<16xf32> to vector<16xf32>
        %div3A = arith.constant 2.000000e-05 : f32
        %div3A_715 = vector.broadcast %div3A : f32 to vector<16xf32>
        %div3A_716 = arith.divf %get3A_714, %div3A_715 : vector<16xf32>
        %convert_element_type3A = arith.fptosi %div3A_716 : vector<16xf32> to vector<16xi32>
        %max3A = arith.constant 0 : i32
        %max3A_717 = vector.broadcast %max3A : i32 to vector<16xi32>
        %max3A_718 = arith.maxsi %convert_element_type3A, %max3A_717 : vector<16xi32>
        %min3A = arith.constant 49999 : i32
        %min3A_719 = vector.broadcast %min3A : i32 to vector<16xi32>
        %min3A_720 = arith.minsi %max3A_718, %min3A_719 : vector<16xi32>
        %mul3A_721 = arith.constant 16 : i32
        %mul3A_722 = arith.muli %scan3A_707, %mul3A_721 : i32
        %swap3A = arith.index_cast %mul3A_722 : i32 to index
        %swap3A_723 = tpu.vector_load %arg6[%swap3A] {strides = array<i32>} : memref<128xi32, #tpu.memory_space<vmem>>, vector<16xi32>,
        %swap3A_724 = vector.shape_cast %swap3A_723 : vector<16xi32> to vector<16xi32>
        %swap3A_725 = vector.shape_cast %min3A_720 : vector<16xi32> to vector<16xi32>
        tpu.vector_store %arg6[%swap3A], %swap3A_725 {strides = array<i32>} : memref<128xi32, #tpu.memory_space<vmem>>, vector<16xi32>,
      }
      %scan3A_616 = arith.constant 8 : i32
      %dma_wait3A_617 = arith.constant 2 : i32
      %dma_wait3A_618 = arith.constant 0 : i32
      %dma_wait3A_619 = arith.constant 0 : i32
      %dma_wait3A_620 = tpu.memref_slice %arg14[%arg1, %dma_wait3A_617, %dma_wait3A_618, %dma_wait3A_619] : memref<16x4x128x128xf32, #tpu.memory_space<vmem_shared>> -> memref<1x1x128x128xf32, #tpu.memory_space<vmem_shared>>
      %dma_wait3A_621 = tpu.memref_squeeze %dma_wait3A_620 : memref<1x1x128x128xf32, #tpu.memory_space<vmem_shared>> -> memref<128x128xf32, #tpu.memory_space<vmem_shared>>
      %dma_wait3A_622 = arith.constant 0 : i32
      %dma_wait3A_623 = arith.constant 0 : i32
      %dma_wait3A_624 = tpu.memref_slice %arg14[%arg1, %dma_wait3A_617, %dma_wait3A_622, %dma_wait3A_623] : memref<16x4x128x128xf32, #tpu.memory_space<vmem_shared>> -> memref<1x1x128x128xf32, #tpu.memory_space<vmem_shared>>
      %dma_wait3A_625 = tpu.memref_squeeze %dma_wait3A_624 : memref<1x1x128x128xf32, #tpu.memory_space<vmem_shared>> -> memref<128x128xf32, #tpu.memory_space<vmem_shared>>
      tpu.wait_dma2 semaphore(%arg9 : memref<!tpu.dma_semaphore, #tpu.memory_space<semaphore_mem>>) src(%arg7 : memref<128x128xf32, #tpu.memory_space<vmem>>) dst(%dma_wait3A_625 : memref<128x128xf32, #tpu.memory_space<vmem_shared>>)
      %mul3A_626 = arith.constant 128 : i32
      %mul3A_627 = arith.muli %add3A_584, %mul3A_626 : i32
      %add3A_628 = arith.addi %mul3A_2, %mul3A_627 : i32
      %dma_start3A_629 = arith.constant 2 : i32
      %dma_start3A_630 = arith.constant 0 : i32
      %dma_start3A_631 = tpu.memref_slice %arg4[%add3A_628, %dma_start3A_630] : memref<819200x128xf32, #tpu.memory_space<hbm>> -> memref<128x128xf32, #tpu.memory_space<hbm>>
      %dma_start3A_632 = arith.constant 0 : i32
      %dma_start3A_633 = arith.constant 0 : i32
      %dma_start3A_634 = tpu.memref_slice %arg14[%arg1, %dma_start3A_629, %dma_start3A_632, %dma_start3A_633] : memref<16x4x128x128xf32, #tpu.memory_space<vmem_shared>> -> memref<1x1x128x128xf32, #tpu.memory_space<vmem_shared>>
      %dma_start3A_635 = tpu.memref_squeeze %dma_start3A_634 : memref<1x1x128x128xf32, #tpu.memory_space<vmem_shared>> -> memref<128x128xf32, #tpu.memory_space<vmem_shared>>
      tpu.enqueue_dma source(%dma_start3A_635 : memref<128x128xf32, #tpu.memory_space<vmem_shared>>) target(%dma_start3A_631 : memref<128x128xf32, #tpu.memory_space<hbm>>) target_semaphore(%arg17 : memref<!tpu.dma_semaphore, #tpu.memory_space<semaphore_mem>>)
      %dma_start3A_636 = arith.constant 0 : i32
      %dma_start3A_637 = arith.constant 0 : i32
      %dma_start3A_638 = tpu.memref_slice %arg7[%dma_start3A_636, %dma_start3A_637] : memref<128x128xf32, #tpu.memory_space<vmem>> -> memref<128x128xf32, #tpu.memory_space<vmem>>
      %dma_start3A_639 = arith.constant 0 : i32
      %dma_start3A_640 = tpu.memref_slice %arg6[%dma_start3A_639] : memref<128xi32, #tpu.memory_space<vmem>> -> memref<128xi32, #tpu.memory_space<vmem>>
      %dma_start3A_641 = arith.constant 0 : i32
      %dma_start3A_642 = arith.constant 0 : i32
      %dma_start3A_643 = tpu.memref_slice %arg3[%dma_start3A_641, %dma_start3A_642] : memref<50000x128xf32, #tpu.memory_space<hbm>> -> memref<50000x128xf32, #tpu.memory_space<hbm>>
      tpu.enqueue_indirect_dma source(%dma_start3A_643 : memref<50000x128xf32, #tpu.memory_space<hbm>>) target(%dma_start3A_638 : memref<128x128xf32, #tpu.memory_space<vmem>>) offsets(%dma_start3A_640 : memref<128xi32, #tpu.memory_space<vmem>>) semaphore(%arg8 : memref<!tpu.dma_semaphore, #tpu.memory_space<semaphore_mem>>)
      %mul3A_644 = arith.constant 4 : i32
      %mul3A_645 = arith.muli %scan3A_454, %mul3A_644 : i32
      %add3A_646 = arith.constant 3 : i32
      %add3A_647 = arith.addi %mul3A_645, %add3A_646 : i32
      %dma_wait3A_648 = arith.constant 0 : i32
      %dma_wait3A_649 = arith.constant 0 : i32
      %dma_wait3A_650 = tpu.memref_slice %arg11[%dma_wait3A_648, %dma_wait3A_649] : memref<128x128xf32, #tpu.memory_space<vmem>> -> memref<128x128xf32, #tpu.memory_space<vmem>>
      %dma_wait3A_651 = arith.constant 0 : i32
      %dma_wait3A_652 = tpu.memref_slice %arg10[%dma_wait3A_651] : memref<128xi32, #tpu.memory_space<vmem>> -> memref<128xi32, #tpu.memory_space<vmem>>
      %dma_wait3A_653 = arith.constant 0 : i32
      %dma_wait3A_654 = arith.constant 0 : i32
      %dma_wait3A_655 = tpu.memref_slice %arg3[%dma_wait3A_653, %dma_wait3A_654] : memref<50000x128xf32, #tpu.memory_space<hbm>> -> memref<50000x128xf32, #tpu.memory_space<hbm>>
      tpu.wait_indirect_dma semaphore(%arg12 : memref<!tpu.dma_semaphore, #tpu.memory_space<semaphore_mem>>) src(%dma_wait3A_655 : memref<50000x128xf32, #tpu.memory_space<hbm>>) dst(%dma_wait3A_650 : memref<128x128xf32, #tpu.memory_space<vmem>>)
      %dma_wait3A_656 = arith.constant 3 : i32
      %dma_wait3A_657 = arith.constant 0 : i32
      %dma_wait3A_658 = tpu.memref_slice %arg4[%mul3A_2, %dma_wait3A_657] : memref<819200x128xf32, #tpu.memory_space<hbm>> -> memref<128x128xf32, #tpu.memory_space<hbm>>
      %dma_wait3A_659 = arith.constant 0 : i32
      %dma_wait3A_660 = arith.constant 0 : i32
      %dma_wait3A_661 = tpu.memref_slice %arg14[%arg1, %dma_wait3A_656, %dma_wait3A_659, %dma_wait3A_660] : memref<16x4x128x128xf32, #tpu.memory_space<vmem_shared>> -> memref<1x1x128x128xf32, #tpu.memory_space<vmem_shared>>
      %dma_wait3A_662 = tpu.memref_squeeze %dma_wait3A_661 : memref<1x1x128x128xf32, #tpu.memory_space<vmem_shared>> -> memref<128x128xf32, #tpu.memory_space<vmem_shared>>
      tpu.wait_dma2 semaphore(%arg18 : memref<!tpu.dma_semaphore, #tpu.memory_space<semaphore_mem>>) src(%dma_wait3A_662 : memref<128x128xf32, #tpu.memory_space<vmem_shared>>) dst(%dma_wait3A_658 : memref<128x128xf32, #tpu.memory_space<hbm>>)
      %dma_start3A_663 = arith.constant 3 : i32
      %dma_start3A_664 = arith.constant 0 : i32
      %dma_start3A_665 = arith.constant 0 : i32
      %dma_start3A_666 = tpu.memref_slice %arg14[%arg1, %dma_start3A_663, %dma_start3A_664, %dma_start3A_665] : memref<16x4x128x128xf32, #tpu.memory_space<vmem_shared>> -> memref<1x1x128x128xf32, #tpu.memory_space<vmem_shared>>
      %dma_start3A_667 = tpu.memref_squeeze %dma_start3A_666 : memref<1x1x128x128xf32, #tpu.memory_space<vmem_shared>> -> memref<128x128xf32, #tpu.memory_space<vmem_shared>>
      %dma_start3A_668 = arith.constant 0 : i32
      %dma_start3A_669 = arith.constant 0 : i32
      %dma_start3A_670 = tpu.memref_slice %arg14[%arg1, %dma_start3A_663, %dma_start3A_668, %dma_start3A_669] : memref<16x4x128x128xf32, #tpu.memory_space<vmem_shared>> -> memref<1x1x128x128xf32, #tpu.memory_space<vmem_shared>>
      %dma_start3A_671 = tpu.memref_squeeze %dma_start3A_670 : memref<1x1x128x128xf32, #tpu.memory_space<vmem_shared>> -> memref<128x128xf32, #tpu.memory_space<vmem_shared>>
      tpu.enqueue_dma source(%arg11 : memref<128x128xf32, #tpu.memory_space<vmem>>) target(%dma_start3A_671 : memref<128x128xf32, #tpu.memory_space<vmem_shared>>) target_semaphore(%arg13 : memref<!tpu.dma_semaphore, #tpu.memory_space<semaphore_mem>>)
      %add3A_672 = arith.constant 2 : i32
      %add3A_673 = arith.addi %add3A_647, %add3A_672 : i32
      %scan3A_674 = arith.constant 0 : i32
      %scan3A_675 = arith.constant 0 : i32
      %scan3A_676 = arith.constant 8 : i32
      %scan3A_677 = arith.addi %scan3A_675, %scan3A_676 : i32
      %scan3A_678 = arith.constant 1 : i32
      scf.for %scan3A_707 = %scan3A_675 to %scan3A_677 step %scan3A_678  : i32 {
        %mul3A_708 = arith.constant 128 : i32
        %mul3A_709 = arith.muli %add3A_673, %mul3A_708 : i32
        %mul3A_710 = arith.constant 16 : i32
        %mul3A_711 = arith.muli %scan3A_707, %mul3A_710 : i32
        %add3A_712 = arith.addi %mul3A_709, %mul3A_711 : i32
        %get3A = arith.index_cast %add3A_712 : i32 to index
        %get3A_713 = tpu.vector_load %arg5[%get3A] {strides = array<i32>} : memref<25600xf32, #tpu.memory_space<vmem>>, vector<16xf32>,
        %get3A_714 = vector.shape_cast %get3A_713 : vector<16xf32> to vector<16xf32>
        %div3A = arith.constant 2.000000e-05 : f32
        %div3A_715 = vector.broadcast %div3A : f32 to vector<16xf32>
        %div3A_716 = arith.divf %get3A_714, %div3A_715 : vector<16xf32>
        %convert_element_type3A = arith.fptosi %div3A_716 : vector<16xf32> to vector<16xi32>
        %max3A = arith.constant 0 : i32
        %max3A_717 = vector.broadcast %max3A : i32 to vector<16xi32>
        %max3A_718 = arith.maxsi %convert_element_type3A, %max3A_717 : vector<16xi32>
        %min3A = arith.constant 49999 : i32
        %min3A_719 = vector.broadcast %min3A : i32 to vector<16xi32>
        %min3A_720 = arith.minsi %max3A_718, %min3A_719 : vector<16xi32>
        %mul3A_721 = arith.constant 16 : i32
        %mul3A_722 = arith.muli %scan3A_707, %mul3A_721 : i32
        %swap3A = arith.index_cast %mul3A_722 : i32 to index
        %swap3A_723 = tpu.vector_load %arg10[%swap3A] {strides = array<i32>} : memref<128xi32, #tpu.memory_space<vmem>>, vector<16xi32>,
        %swap3A_724 = vector.shape_cast %swap3A_723 : vector<16xi32> to vector<16xi32>
        %swap3A_725 = vector.shape_cast %min3A_720 : vector<16xi32> to vector<16xi32>
        tpu.vector_store %arg10[%swap3A], %swap3A_725 {strides = array<i32>} : memref<128xi32, #tpu.memory_space<vmem>>, vector<16xi32>,
      }
      %scan3A_679 = arith.constant 8 : i32
      %dma_wait3A_680 = arith.constant 3 : i32
      %dma_wait3A_681 = arith.constant 0 : i32
      %dma_wait3A_682 = arith.constant 0 : i32
      %dma_wait3A_683 = tpu.memref_slice %arg14[%arg1, %dma_wait3A_680, %dma_wait3A_681, %dma_wait3A_682] : memref<16x4x128x128xf32, #tpu.memory_space<vmem_shared>> -> memref<1x1x128x128xf32, #tpu.memory_space<vmem_shared>>
      %dma_wait3A_684 = tpu.memref_squeeze %dma_wait3A_683 : memref<1x1x128x128xf32, #tpu.memory_space<vmem_shared>> -> memref<128x128xf32, #tpu.memory_space<vmem_shared>>
      %dma_wait3A_685 = arith.constant 0 : i32
      %dma_wait3A_686 = arith.constant 0 : i32
      %dma_wait3A_687 = tpu.memref_slice %arg14[%arg1, %dma_wait3A_680, %dma_wait3A_685, %dma_wait3A_686] : memref<16x4x128x128xf32, #tpu.memory_space<vmem_shared>> -> memref<1x1x128x128xf32, #tpu.memory_space<vmem_shared>>
      %dma_wait3A_688 = tpu.memref_squeeze %dma_wait3A_687 : memref<1x1x128x128xf32, #tpu.memory_space<vmem_shared>> -> memref<128x128xf32, #tpu.memory_space<vmem_shared>>
      tpu.wait_dma2 semaphore(%arg13 : memref<!tpu.dma_semaphore, #tpu.memory_space<semaphore_mem>>) src(%arg11 : memref<128x128xf32, #tpu.memory_space<vmem>>) dst(%dma_wait3A_688 : memref<128x128xf32, #tpu.memory_space<vmem_shared>>)
      %mul3A_689 = arith.constant 128 : i32
      %mul3A_690 = arith.muli %add3A_647, %mul3A_689 : i32
      %add3A_691 = arith.addi %mul3A_2, %mul3A_690 : i32
      %dma_start3A_692 = arith.constant 3 : i32
      %dma_start3A_693 = arith.constant 0 : i32
      %dma_start3A_694 = tpu.memref_slice %arg4[%add3A_691, %dma_start3A_693] : memref<819200x128xf32, #tpu.memory_space<hbm>> -> memref<128x128xf32, #tpu.memory_space<hbm>>
      %dma_start3A_695 = arith.constant 0 : i32
      %dma_start3A_696 = arith.constant 0 : i32
      %dma_start3A_697 = tpu.memref_slice %arg14[%arg1, %dma_start3A_692, %dma_start3A_695, %dma_start3A_696] : memref<16x4x128x128xf32, #tpu.memory_space<vmem_shared>> -> memref<1x1x128x128xf32, #tpu.memory_space<vmem_shared>>
      %dma_start3A_698 = tpu.memref_squeeze %dma_start3A_697 : memref<1x1x128x128xf32, #tpu.memory_space<vmem_shared>> -> memref<128x128xf32, #tpu.memory_space<vmem_shared>>
      tpu.enqueue_dma source(%dma_start3A_698 : memref<128x128xf32, #tpu.memory_space<vmem_shared>>) target(%dma_start3A_694 : memref<128x128xf32, #tpu.memory_space<hbm>>) target_semaphore(%arg18 : memref<!tpu.dma_semaphore, #tpu.memory_space<semaphore_mem>>)
      %dma_start3A_699 = arith.constant 0 : i32
      %dma_start3A_700 = arith.constant 0 : i32
      %dma_start3A_701 = tpu.memref_slice %arg11[%dma_start3A_699, %dma_start3A_700] : memref<128x128xf32, #tpu.memory_space<vmem>> -> memref<128x128xf32, #tpu.memory_space<vmem>>
      %dma_start3A_702 = arith.constant 0 : i32
      %dma_start3A_703 = tpu.memref_slice %arg10[%dma_start3A_702] : memref<128xi32, #tpu.memory_space<vmem>> -> memref<128xi32, #tpu.memory_space<vmem>>
      %dma_start3A_704 = arith.constant 0 : i32
      %dma_start3A_705 = arith.constant 0 : i32
      %dma_start3A_706 = tpu.memref_slice %arg3[%dma_start3A_704, %dma_start3A_705] : memref<50000x128xf32, #tpu.memory_space<hbm>> -> memref<50000x128xf32, #tpu.memory_space<hbm>>
      tpu.enqueue_indirect_dma source(%dma_start3A_706 : memref<50000x128xf32, #tpu.memory_space<hbm>>) target(%dma_start3A_701 : memref<128x128xf32, #tpu.memory_space<vmem>>) offsets(%dma_start3A_703 : memref<128xi32, #tpu.memory_space<vmem>>) semaphore(%arg12 : memref<!tpu.dma_semaphore, #tpu.memory_space<semaphore_mem>>)
    }
    %scan3A_229 = arith.constant 48 : i32
    %dma_wait3A_230 = arith.constant 0 : i32
    %dma_wait3A_231 = arith.constant 0 : i32
    %dma_wait3A_232 = tpu.memref_slice %arg7[%dma_wait3A_230, %dma_wait3A_231] : memref<128x128xf32, #tpu.memory_space<vmem>> -> memref<128x128xf32, #tpu.memory_space<vmem>>
    %dma_wait3A_233 = arith.constant 0 : i32
    %dma_wait3A_234 = tpu.memref_slice %arg6[%dma_wait3A_233] : memref<128xi32, #tpu.memory_space<vmem>> -> memref<128xi32, #tpu.memory_space<vmem>>
    %dma_wait3A_235 = arith.constant 0 : i32
    %dma_wait3A_236 = arith.constant 0 : i32
    %dma_wait3A_237 = tpu.memref_slice %arg3[%dma_wait3A_235, %dma_wait3A_236] : memref<50000x128xf32, #tpu.memory_space<hbm>> -> memref<50000x128xf32, #tpu.memory_space<hbm>>
    tpu.wait_indirect_dma semaphore(%arg8 : memref<!tpu.dma_semaphore, #tpu.memory_space<semaphore_mem>>) src(%dma_wait3A_237 : memref<50000x128xf32, #tpu.memory_space<hbm>>) dst(%dma_wait3A_232 : memref<128x128xf32, #tpu.memory_space<vmem>>)
    %dma_wait3A_238 = arith.constant 0 : i32
    %dma_wait3A_239 = arith.constant 0 : i32
    %dma_wait3A_240 = tpu.memref_slice %arg4[%mul3A_2, %dma_wait3A_239] : memref<819200x128xf32, #tpu.memory_space<hbm>> -> memref<128x128xf32, #tpu.memory_space<hbm>>
    %dma_wait3A_241 = arith.constant 0 : i32
    %dma_wait3A_242 = arith.constant 0 : i32
    %dma_wait3A_243 = tpu.memref_slice %arg14[%arg1, %dma_wait3A_238, %dma_wait3A_241, %dma_wait3A_242] : memref<16x4x128x128xf32, #tpu.memory_space<vmem_shared>> -> memref<1x1x128x128xf32, #tpu.memory_space<vmem_shared>>
    %dma_wait3A_244 = tpu.memref_squeeze %dma_wait3A_243 : memref<1x1x128x128xf32, #tpu.memory_space<vmem_shared>> -> memref<128x128xf32, #tpu.memory_space<vmem_shared>>
    tpu.wait_dma2 semaphore(%arg15 : memref<!tpu.dma_semaphore, #tpu.memory_space<semaphore_mem>>) src(%dma_wait3A_244 : memref<128x128xf32, #tpu.memory_space<vmem_shared>>) dst(%dma_wait3A_240 : memref<128x128xf32, #tpu.memory_space<hbm>>)
    %dma_start3A_245 = arith.constant 0 : i32
    %dma_start3A_246 = arith.constant 0 : i32
    %dma_start3A_247 = arith.constant 0 : i32
    %dma_start3A_248 = tpu.memref_slice %arg14[%arg1, %dma_start3A_245, %dma_start3A_246, %dma_start3A_247] : memref<16x4x128x128xf32, #tpu.memory_space<vmem_shared>> -> memref<1x1x128x128xf32, #tpu.memory_space<vmem_shared>>
    %dma_start3A_249 = tpu.memref_squeeze %dma_start3A_248 : memref<1x1x128x128xf32, #tpu.memory_space<vmem_shared>> -> memref<128x128xf32, #tpu.memory_space<vmem_shared>>
    %dma_start3A_250 = arith.constant 0 : i32
    %dma_start3A_251 = arith.constant 0 : i32
    %dma_start3A_252 = tpu.memref_slice %arg14[%arg1, %dma_start3A_245, %dma_start3A_250, %dma_start3A_251] : memref<16x4x128x128xf32, #tpu.memory_space<vmem_shared>> -> memref<1x1x128x128xf32, #tpu.memory_space<vmem_shared>>
    %dma_start3A_253 = tpu.memref_squeeze %dma_start3A_252 : memref<1x1x128x128xf32, #tpu.memory_space<vmem_shared>> -> memref<128x128xf32, #tpu.memory_space<vmem_shared>>
    tpu.enqueue_dma source(%arg7 : memref<128x128xf32, #tpu.memory_space<vmem>>) target(%dma_start3A_253 : memref<128x128xf32, #tpu.memory_space<vmem_shared>>) target_semaphore(%arg9 : memref<!tpu.dma_semaphore, #tpu.memory_space<semaphore_mem>>)
    %scan3A_254 = arith.constant 0 : i32
    %scan3A_255 = arith.constant 0 : i32
    %scan3A_256 = arith.constant 8 : i32
    %scan3A_257 = arith.addi %scan3A_255, %scan3A_256 : i32
    %scan3A_258 = arith.constant 1 : i32
    scf.for %scan3A_454 = %scan3A_255 to %scan3A_257 step %scan3A_258  : i32 {
      %mul3A_455 = arith.constant 16 : i32
      %mul3A_456 = arith.muli %scan3A_454, %mul3A_455 : i32
      %add3A_457 = arith.constant 25344 : i32
      %add3A_458 = arith.addi %add3A_457, %mul3A_456 : i32
      %get3A = arith.index_cast %add3A_458 : i32 to index
      %get3A_459 = tpu.vector_load %arg5[%get3A] {strides = array<i32>} : memref<25600xf32, #tpu.memory_space<vmem>>, vector<16xf32>,
      %get3A_460 = vector.shape_cast %get3A_459 : vector<16xf32> to vector<16xf32>
      %div3A = arith.constant 2.000000e-05 : f32
      %div3A_461 = vector.broadcast %div3A : f32 to vector<16xf32>
      %div3A_462 = arith.divf %get3A_460, %div3A_461 : vector<16xf32>
      %convert_element_type3A = arith.fptosi %div3A_462 : vector<16xf32> to vector<16xi32>
      %max3A = arith.constant 0 : i32
      %max3A_463 = vector.broadcast %max3A : i32 to vector<16xi32>
      %max3A_464 = arith.maxsi %convert_element_type3A, %max3A_463 : vector<16xi32>
      %min3A = arith.constant 49999 : i32
      %min3A_465 = vector.broadcast %min3A : i32 to vector<16xi32>
      %min3A_466 = arith.minsi %max3A_464, %min3A_465 : vector<16xi32>
      %mul3A_467 = arith.constant 16 : i32
      %mul3A_468 = arith.muli %scan3A_454, %mul3A_467 : i32
      %swap3A = arith.index_cast %mul3A_468 : i32 to index
      %swap3A_469 = tpu.vector_load %arg6[%swap3A] {strides = array<i32>} : memref<128xi32, #tpu.memory_space<vmem>>, vector<16xi32>,
      %swap3A_470 = vector.shape_cast %swap3A_469 : vector<16xi32> to vector<16xi32>
      %swap3A_471 = vector.shape_cast %min3A_466 : vector<16xi32> to vector<16xi32>
      tpu.vector_store %arg6[%swap3A], %swap3A_471 {strides = array<i32>} : memref<128xi32, #tpu.memory_space<vmem>>, vector<16xi32>,
    }
    %scan3A_259 = arith.constant 8 : i32
    %dma_wait3A_260 = arith.constant 0 : i32
    %dma_wait3A_261 = arith.constant 0 : i32
    %dma_wait3A_262 = arith.constant 0 : i32
    %dma_wait3A_263 = tpu.memref_slice %arg14[%arg1, %dma_wait3A_260, %dma_wait3A_261, %dma_wait3A_262] : memref<16x4x128x128xf32, #tpu.memory_space<vmem_shared>> -> memref<1x1x128x128xf32, #tpu.memory_space<vmem_shared>>
    %dma_wait3A_264 = tpu.memref_squeeze %dma_wait3A_263 : memref<1x1x128x128xf32, #tpu.memory_space<vmem_shared>> -> memref<128x128xf32, #tpu.memory_space<vmem_shared>>
    %dma_wait3A_265 = arith.constant 0 : i32
    %dma_wait3A_266 = arith.constant 0 : i32
    %dma_wait3A_267 = tpu.memref_slice %arg14[%arg1, %dma_wait3A_260, %dma_wait3A_265, %dma_wait3A_266] : memref<16x4x128x128xf32, #tpu.memory_space<vmem_shared>> -> memref<1x1x128x128xf32, #tpu.memory_space<vmem_shared>>
    %dma_wait3A_268 = tpu.memref_squeeze %dma_wait3A_267 : memref<1x1x128x128xf32, #tpu.memory_space<vmem_shared>> -> memref<128x128xf32, #tpu.memory_space<vmem_shared>>
    tpu.wait_dma2 semaphore(%arg9 : memref<!tpu.dma_semaphore, #tpu.memory_space<semaphore_mem>>) src(%arg7 : memref<128x128xf32, #tpu.memory_space<vmem>>) dst(%dma_wait3A_268 : memref<128x128xf32, #tpu.memory_space<vmem_shared>>)
    %add3A_269 = arith.constant 25088 : i32
    %add3A_270 = arith.addi %mul3A_2, %add3A_269 : i32
    %dma_start3A_271 = arith.constant 0 : i32
    %dma_start3A_272 = arith.constant 0 : i32
    %dma_start3A_273 = tpu.memref_slice %arg4[%add3A_270, %dma_start3A_272] : memref<819200x128xf32, #tpu.memory_space<hbm>> -> memref<128x128xf32, #tpu.memory_space<hbm>>
    %dma_start3A_274 = arith.constant 0 : i32
    %dma_start3A_275 = arith.constant 0 : i32
    %dma_start3A_276 = tpu.memref_slice %arg14[%arg1, %dma_start3A_271, %dma_start3A_274, %dma_start3A_275] : memref<16x4x128x128xf32, #tpu.memory_space<vmem_shared>> -> memref<1x1x128x128xf32, #tpu.memory_space<vmem_shared>>
    %dma_start3A_277 = tpu.memref_squeeze %dma_start3A_276 : memref<1x1x128x128xf32, #tpu.memory_space<vmem_shared>> -> memref<128x128xf32, #tpu.memory_space<vmem_shared>>
    tpu.enqueue_dma source(%dma_start3A_277 : memref<128x128xf32, #tpu.memory_space<vmem_shared>>) target(%dma_start3A_273 : memref<128x128xf32, #tpu.memory_space<hbm>>) target_semaphore(%arg15 : memref<!tpu.dma_semaphore, #tpu.memory_space<semaphore_mem>>)
    %dma_start3A_278 = arith.constant 0 : i32
    %dma_start3A_279 = arith.constant 0 : i32
    %dma_start3A_280 = tpu.memref_slice %arg7[%dma_start3A_278, %dma_start3A_279] : memref<128x128xf32, #tpu.memory_space<vmem>> -> memref<128x128xf32, #tpu.memory_space<vmem>>
    %dma_start3A_281 = arith.constant 0 : i32
    %dma_start3A_282 = tpu.memref_slice %arg6[%dma_start3A_281] : memref<128xi32, #tpu.memory_space<vmem>> -> memref<128xi32, #tpu.memory_space<vmem>>
    %dma_start3A_283 = arith.constant 0 : i32
    %dma_start3A_284 = arith.constant 0 : i32
    %dma_start3A_285 = tpu.memref_slice %arg3[%dma_start3A_283, %dma_start3A_284] : memref<50000x128xf32, #tpu.memory_space<hbm>> -> memref<50000x128xf32, #tpu.memory_space<hbm>>
    tpu.enqueue_indirect_dma source(%dma_start3A_285 : memref<50000x128xf32, #tpu.memory_space<hbm>>) target(%dma_start3A_280 : memref<128x128xf32, #tpu.memory_space<vmem>>) offsets(%dma_start3A_282 : memref<128xi32, #tpu.memory_space<vmem>>) semaphore(%arg8 : memref<!tpu.dma_semaphore, #tpu.memory_space<semaphore_mem>>)
    %dma_wait3A_286 = arith.constant 0 : i32
    %dma_wait3A_287 = arith.constant 0 : i32
    %dma_wait3A_288 = tpu.memref_slice %arg11[%dma_wait3A_286, %dma_wait3A_287] : memref<128x128xf32, #tpu.memory_space<vmem>> -> memref<128x128xf32, #tpu.memory_space<vmem>>
    %dma_wait3A_289 = arith.constant 0 : i32
    %dma_wait3A_290 = tpu.memref_slice %arg10[%dma_wait3A_289] : memref<128xi32, #tpu.memory_space<vmem>> -> memref<128xi32, #tpu.memory_space<vmem>>
    %dma_wait3A_291 = arith.constant 0 : i32
    %dma_wait3A_292 = arith.constant 0 : i32
    %dma_wait3A_293 = tpu.memref_slice %arg3[%dma_wait3A_291, %dma_wait3A_292] : memref<50000x128xf32, #tpu.memory_space<hbm>> -> memref<50000x128xf32, #tpu.memory_space<hbm>>
    tpu.wait_indirect_dma semaphore(%arg12 : memref<!tpu.dma_semaphore, #tpu.memory_space<semaphore_mem>>) src(%dma_wait3A_293 : memref<50000x128xf32, #tpu.memory_space<hbm>>) dst(%dma_wait3A_288 : memref<128x128xf32, #tpu.memory_space<vmem>>)
    %dma_wait3A_294 = arith.constant 1 : i32
    %dma_wait3A_295 = arith.constant 0 : i32
    %dma_wait3A_296 = tpu.memref_slice %arg4[%mul3A_2, %dma_wait3A_295] : memref<819200x128xf32, #tpu.memory_space<hbm>> -> memref<128x128xf32, #tpu.memory_space<hbm>>
    %dma_wait3A_297 = arith.constant 0 : i32
    %dma_wait3A_298 = arith.constant 0 : i32
    %dma_wait3A_299 = tpu.memref_slice %arg14[%arg1, %dma_wait3A_294, %dma_wait3A_297, %dma_wait3A_298] : memref<16x4x128x128xf32, #tpu.memory_space<vmem_shared>> -> memref<1x1x128x128xf32, #tpu.memory_space<vmem_shared>>
    %dma_wait3A_300 = tpu.memref_squeeze %dma_wait3A_299 : memref<1x1x128x128xf32, #tpu.memory_space<vmem_shared>> -> memref<128x128xf32, #tpu.memory_space<vmem_shared>>
    tpu.wait_dma2 semaphore(%arg16 : memref<!tpu.dma_semaphore, #tpu.memory_space<semaphore_mem>>) src(%dma_wait3A_300 : memref<128x128xf32, #tpu.memory_space<vmem_shared>>) dst(%dma_wait3A_296 : memref<128x128xf32, #tpu.memory_space<hbm>>)
    %dma_start3A_301 = arith.constant 1 : i32
    %dma_start3A_302 = arith.constant 0 : i32
    %dma_start3A_303 = arith.constant 0 : i32
    %dma_start3A_304 = tpu.memref_slice %arg14[%arg1, %dma_start3A_301, %dma_start3A_302, %dma_start3A_303] : memref<16x4x128x128xf32, #tpu.memory_space<vmem_shared>> -> memref<1x1x128x128xf32, #tpu.memory_space<vmem_shared>>
    %dma_start3A_305 = tpu.memref_squeeze %dma_start3A_304 : memref<1x1x128x128xf32, #tpu.memory_space<vmem_shared>> -> memref<128x128xf32, #tpu.memory_space<vmem_shared>>
    %dma_start3A_306 = arith.constant 0 : i32
    %dma_start3A_307 = arith.constant 0 : i32
    %dma_start3A_308 = tpu.memref_slice %arg14[%arg1, %dma_start3A_301, %dma_start3A_306, %dma_start3A_307] : memref<16x4x128x128xf32, #tpu.memory_space<vmem_shared>> -> memref<1x1x128x128xf32, #tpu.memory_space<vmem_shared>>
    %dma_start3A_309 = tpu.memref_squeeze %dma_start3A_308 : memref<1x1x128x128xf32, #tpu.memory_space<vmem_shared>> -> memref<128x128xf32, #tpu.memory_space<vmem_shared>>
    tpu.enqueue_dma source(%arg11 : memref<128x128xf32, #tpu.memory_space<vmem>>) target(%dma_start3A_309 : memref<128x128xf32, #tpu.memory_space<vmem_shared>>) target_semaphore(%arg13 : memref<!tpu.dma_semaphore, #tpu.memory_space<semaphore_mem>>)
    %scan3A_310 = arith.constant 0 : i32
    %scan3A_311 = arith.constant 0 : i32
    %scan3A_312 = arith.constant 8 : i32
    %scan3A_313 = arith.addi %scan3A_311, %scan3A_312 : i32
    %scan3A_314 = arith.constant 1 : i32
    scf.for %scan3A_454 = %scan3A_311 to %scan3A_313 step %scan3A_314  : i32 {
      %mul3A_455 = arith.constant 16 : i32
      %mul3A_456 = arith.muli %scan3A_454, %mul3A_455 : i32
      %add3A_457 = arith.constant 25472 : i32
      %add3A_458 = arith.addi %add3A_457, %mul3A_456 : i32
      %get3A = arith.index_cast %add3A_458 : i32 to index
      %get3A_459 = tpu.vector_load %arg5[%get3A] {strides = array<i32>} : memref<25600xf32, #tpu.memory_space<vmem>>, vector<16xf32>,
      %get3A_460 = vector.shape_cast %get3A_459 : vector<16xf32> to vector<16xf32>
      %div3A = arith.constant 2.000000e-05 : f32
      %div3A_461 = vector.broadcast %div3A : f32 to vector<16xf32>
      %div3A_462 = arith.divf %get3A_460, %div3A_461 : vector<16xf32>
      %convert_element_type3A = arith.fptosi %div3A_462 : vector<16xf32> to vector<16xi32>
      %max3A = arith.constant 0 : i32
      %max3A_463 = vector.broadcast %max3A : i32 to vector<16xi32>
      %max3A_464 = arith.maxsi %convert_element_type3A, %max3A_463 : vector<16xi32>
      %min3A = arith.constant 49999 : i32
      %min3A_465 = vector.broadcast %min3A : i32 to vector<16xi32>
      %min3A_466 = arith.minsi %max3A_464, %min3A_465 : vector<16xi32>
      %mul3A_467 = arith.constant 16 : i32
      %mul3A_468 = arith.muli %scan3A_454, %mul3A_467 : i32
      %swap3A = arith.index_cast %mul3A_468 : i32 to index
      %swap3A_469 = tpu.vector_load %arg10[%swap3A] {strides = array<i32>} : memref<128xi32, #tpu.memory_space<vmem>>, vector<16xi32>,
      %swap3A_470 = vector.shape_cast %swap3A_469 : vector<16xi32> to vector<16xi32>
      %swap3A_471 = vector.shape_cast %min3A_466 : vector<16xi32> to vector<16xi32>
      tpu.vector_store %arg10[%swap3A], %swap3A_471 {strides = array<i32>} : memref<128xi32, #tpu.memory_space<vmem>>, vector<16xi32>,
    }
    %scan3A_315 = arith.constant 8 : i32
    %dma_wait3A_316 = arith.constant 1 : i32
    %dma_wait3A_317 = arith.constant 0 : i32
    %dma_wait3A_318 = arith.constant 0 : i32
    %dma_wait3A_319 = tpu.memref_slice %arg14[%arg1, %dma_wait3A_316, %dma_wait3A_317, %dma_wait3A_318] : memref<16x4x128x128xf32, #tpu.memory_space<vmem_shared>> -> memref<1x1x128x128xf32, #tpu.memory_space<vmem_shared>>
    %dma_wait3A_320 = tpu.memref_squeeze %dma_wait3A_319 : memref<1x1x128x128xf32, #tpu.memory_space<vmem_shared>> -> memref<128x128xf32, #tpu.memory_space<vmem_shared>>
    %dma_wait3A_321 = arith.constant 0 : i32
    %dma_wait3A_322 = arith.constant 0 : i32
    %dma_wait3A_323 = tpu.memref_slice %arg14[%arg1, %dma_wait3A_316, %dma_wait3A_321, %dma_wait3A_322] : memref<16x4x128x128xf32, #tpu.memory_space<vmem_shared>> -> memref<1x1x128x128xf32, #tpu.memory_space<vmem_shared>>
    %dma_wait3A_324 = tpu.memref_squeeze %dma_wait3A_323 : memref<1x1x128x128xf32, #tpu.memory_space<vmem_shared>> -> memref<128x128xf32, #tpu.memory_space<vmem_shared>>
    tpu.wait_dma2 semaphore(%arg13 : memref<!tpu.dma_semaphore, #tpu.memory_space<semaphore_mem>>) src(%arg11 : memref<128x128xf32, #tpu.memory_space<vmem>>) dst(%dma_wait3A_324 : memref<128x128xf32, #tpu.memory_space<vmem_shared>>)
    %add3A_325 = arith.constant 25216 : i32
    %add3A_326 = arith.addi %mul3A_2, %add3A_325 : i32
    %dma_start3A_327 = arith.constant 1 : i32
    %dma_start3A_328 = arith.constant 0 : i32
    %dma_start3A_329 = tpu.memref_slice %arg4[%add3A_326, %dma_start3A_328] : memref<819200x128xf32, #tpu.memory_space<hbm>> -> memref<128x128xf32, #tpu.memory_space<hbm>>
    %dma_start3A_330 = arith.constant 0 : i32
    %dma_start3A_331 = arith.constant 0 : i32
    %dma_start3A_332 = tpu.memref_slice %arg14[%arg1, %dma_start3A_327, %dma_start3A_330, %dma_start3A_331] : memref<16x4x128x128xf32, #tpu.memory_space<vmem_shared>> -> memref<1x1x128x128xf32, #tpu.memory_space<vmem_shared>>
    %dma_start3A_333 = tpu.memref_squeeze %dma_start3A_332 : memref<1x1x128x128xf32, #tpu.memory_space<vmem_shared>> -> memref<128x128xf32, #tpu.memory_space<vmem_shared>>
    tpu.enqueue_dma source(%dma_start3A_333 : memref<128x128xf32, #tpu.memory_space<vmem_shared>>) target(%dma_start3A_329 : memref<128x128xf32, #tpu.memory_space<hbm>>) target_semaphore(%arg16 : memref<!tpu.dma_semaphore, #tpu.memory_space<semaphore_mem>>)
    %dma_start3A_334 = arith.constant 0 : i32
    %dma_start3A_335 = arith.constant 0 : i32
    %dma_start3A_336 = tpu.memref_slice %arg11[%dma_start3A_334, %dma_start3A_335] : memref<128x128xf32, #tpu.memory_space<vmem>> -> memref<128x128xf32, #tpu.memory_space<vmem>>
    %dma_start3A_337 = arith.constant 0 : i32
    %dma_start3A_338 = tpu.memref_slice %arg10[%dma_start3A_337] : memref<128xi32, #tpu.memory_space<vmem>> -> memref<128xi32, #tpu.memory_space<vmem>>
    %dma_start3A_339 = arith.constant 0 : i32
    %dma_start3A_340 = arith.constant 0 : i32
    %dma_start3A_341 = tpu.memref_slice %arg3[%dma_start3A_339, %dma_start3A_340] : memref<50000x128xf32, #tpu.memory_space<hbm>> -> memref<50000x128xf32, #tpu.memory_space<hbm>>
    tpu.enqueue_indirect_dma source(%dma_start3A_341 : memref<50000x128xf32, #tpu.memory_space<hbm>>) target(%dma_start3A_336 : memref<128x128xf32, #tpu.memory_space<vmem>>) offsets(%dma_start3A_338 : memref<128xi32, #tpu.memory_space<vmem>>) semaphore(%arg12 : memref<!tpu.dma_semaphore, #tpu.memory_space<semaphore_mem>>)
    %dma_wait3A_342 = arith.constant 0 : i32
    %dma_wait3A_343 = arith.constant 0 : i32
    %dma_wait3A_344 = tpu.memref_slice %arg7[%dma_wait3A_342, %dma_wait3A_343] : memref<128x128xf32, #tpu.memory_space<vmem>> -> memref<128x128xf32, #tpu.memory_space<vmem>>
    %dma_wait3A_345 = arith.constant 0 : i32
    %dma_wait3A_346 = tpu.memref_slice %arg6[%dma_wait3A_345] : memref<128xi32, #tpu.memory_space<vmem>> -> memref<128xi32, #tpu.memory_space<vmem>>
    %dma_wait3A_347 = arith.constant 0 : i32
    %dma_wait3A_348 = arith.constant 0 : i32
    %dma_wait3A_349 = tpu.memref_slice %arg3[%dma_wait3A_347, %dma_wait3A_348] : memref<50000x128xf32, #tpu.memory_space<hbm>> -> memref<50000x128xf32, #tpu.memory_space<hbm>>
    tpu.wait_indirect_dma semaphore(%arg8 : memref<!tpu.dma_semaphore, #tpu.memory_space<semaphore_mem>>) src(%dma_wait3A_349 : memref<50000x128xf32, #tpu.memory_space<hbm>>) dst(%dma_wait3A_344 : memref<128x128xf32, #tpu.memory_space<vmem>>)
    %dma_wait3A_350 = arith.constant 2 : i32
    %dma_wait3A_351 = arith.constant 0 : i32
    %dma_wait3A_352 = tpu.memref_slice %arg4[%mul3A_2, %dma_wait3A_351] : memref<819200x128xf32, #tpu.memory_space<hbm>> -> memref<128x128xf32, #tpu.memory_space<hbm>>
    %dma_wait3A_353 = arith.constant 0 : i32
    %dma_wait3A_354 = arith.constant 0 : i32
    %dma_wait3A_355 = tpu.memref_slice %arg14[%arg1, %dma_wait3A_350, %dma_wait3A_353, %dma_wait3A_354] : memref<16x4x128x128xf32, #tpu.memory_space<vmem_shared>> -> memref<1x1x128x128xf32, #tpu.memory_space<vmem_shared>>
    %dma_wait3A_356 = tpu.memref_squeeze %dma_wait3A_355 : memref<1x1x128x128xf32, #tpu.memory_space<vmem_shared>> -> memref<128x128xf32, #tpu.memory_space<vmem_shared>>
    tpu.wait_dma2 semaphore(%arg17 : memref<!tpu.dma_semaphore, #tpu.memory_space<semaphore_mem>>) src(%dma_wait3A_356 : memref<128x128xf32, #tpu.memory_space<vmem_shared>>) dst(%dma_wait3A_352 : memref<128x128xf32, #tpu.memory_space<hbm>>)
    %dma_start3A_357 = arith.constant 2 : i32
    %dma_start3A_358 = arith.constant 0 : i32
    %dma_start3A_359 = arith.constant 0 : i32
    %dma_start3A_360 = tpu.memref_slice %arg14[%arg1, %dma_start3A_357, %dma_start3A_358, %dma_start3A_359] : memref<16x4x128x128xf32, #tpu.memory_space<vmem_shared>> -> memref<1x1x128x128xf32, #tpu.memory_space<vmem_shared>>
    %dma_start3A_361 = tpu.memref_squeeze %dma_start3A_360 : memref<1x1x128x128xf32, #tpu.memory_space<vmem_shared>> -> memref<128x128xf32, #tpu.memory_space<vmem_shared>>
    %dma_start3A_362 = arith.constant 0 : i32
    %dma_start3A_363 = arith.constant 0 : i32
    %dma_start3A_364 = tpu.memref_slice %arg14[%arg1, %dma_start3A_357, %dma_start3A_362, %dma_start3A_363] : memref<16x4x128x128xf32, #tpu.memory_space<vmem_shared>> -> memref<1x1x128x128xf32, #tpu.memory_space<vmem_shared>>
    %dma_start3A_365 = tpu.memref_squeeze %dma_start3A_364 : memref<1x1x128x128xf32, #tpu.memory_space<vmem_shared>> -> memref<128x128xf32, #tpu.memory_space<vmem_shared>>
    tpu.enqueue_dma source(%arg7 : memref<128x128xf32, #tpu.memory_space<vmem>>) target(%dma_start3A_365 : memref<128x128xf32, #tpu.memory_space<vmem_shared>>) target_semaphore(%arg9 : memref<!tpu.dma_semaphore, #tpu.memory_space<semaphore_mem>>)
    %dma_wait3A_366 = arith.constant 2 : i32
    %dma_wait3A_367 = arith.constant 0 : i32
    %dma_wait3A_368 = arith.constant 0 : i32
    %dma_wait3A_369 = tpu.memref_slice %arg14[%arg1, %dma_wait3A_366, %dma_wait3A_367, %dma_wait3A_368] : memref<16x4x128x128xf32, #tpu.memory_space<vmem_shared>> -> memref<1x1x128x128xf32, #tpu.memory_space<vmem_shared>>
    %dma_wait3A_370 = tpu.memref_squeeze %dma_wait3A_369 : memref<1x1x128x128xf32, #tpu.memory_space<vmem_shared>> -> memref<128x128xf32, #tpu.memory_space<vmem_shared>>
    %dma_wait3A_371 = arith.constant 0 : i32
    %dma_wait3A_372 = arith.constant 0 : i32
    %dma_wait3A_373 = tpu.memref_slice %arg14[%arg1, %dma_wait3A_366, %dma_wait3A_371, %dma_wait3A_372] : memref<16x4x128x128xf32, #tpu.memory_space<vmem_shared>> -> memref<1x1x128x128xf32, #tpu.memory_space<vmem_shared>>
    %dma_wait3A_374 = tpu.memref_squeeze %dma_wait3A_373 : memref<1x1x128x128xf32, #tpu.memory_space<vmem_shared>> -> memref<128x128xf32, #tpu.memory_space<vmem_shared>>
    tpu.wait_dma2 semaphore(%arg9 : memref<!tpu.dma_semaphore, #tpu.memory_space<semaphore_mem>>) src(%arg7 : memref<128x128xf32, #tpu.memory_space<vmem>>) dst(%dma_wait3A_374 : memref<128x128xf32, #tpu.memory_space<vmem_shared>>)
    %add3A_375 = arith.constant 25344 : i32
    %add3A_376 = arith.addi %mul3A_2, %add3A_375 : i32
    %dma_start3A_377 = arith.constant 2 : i32
    %dma_start3A_378 = arith.constant 0 : i32
    %dma_start3A_379 = tpu.memref_slice %arg4[%add3A_376, %dma_start3A_378] : memref<819200x128xf32, #tpu.memory_space<hbm>> -> memref<128x128xf32, #tpu.memory_space<hbm>>
    %dma_start3A_380 = arith.constant 0 : i32
    %dma_start3A_381 = arith.constant 0 : i32
    %dma_start3A_382 = tpu.memref_slice %arg14[%arg1, %dma_start3A_377, %dma_start3A_380, %dma_start3A_381] : memref<16x4x128x128xf32, #tpu.memory_space<vmem_shared>> -> memref<1x1x128x128xf32, #tpu.memory_space<vmem_shared>>
    %dma_start3A_383 = tpu.memref_squeeze %dma_start3A_382 : memref<1x1x128x128xf32, #tpu.memory_space<vmem_shared>> -> memref<128x128xf32, #tpu.memory_space<vmem_shared>>
    tpu.enqueue_dma source(%dma_start3A_383 : memref<128x128xf32, #tpu.memory_space<vmem_shared>>) target(%dma_start3A_379 : memref<128x128xf32, #tpu.memory_space<hbm>>) target_semaphore(%arg17 : memref<!tpu.dma_semaphore, #tpu.memory_space<semaphore_mem>>)
    %dma_wait3A_384 = arith.constant 0 : i32
    %dma_wait3A_385 = arith.constant 0 : i32
    %dma_wait3A_386 = tpu.memref_slice %arg11[%dma_wait3A_384, %dma_wait3A_385] : memref<128x128xf32, #tpu.memory_space<vmem>> -> memref<128x128xf32, #tpu.memory_space<vmem>>
    %dma_wait3A_387 = arith.constant 0 : i32
    %dma_wait3A_388 = tpu.memref_slice %arg10[%dma_wait3A_387] : memref<128xi32, #tpu.memory_space<vmem>> -> memref<128xi32, #tpu.memory_space<vmem>>
    %dma_wait3A_389 = arith.constant 0 : i32
    %dma_wait3A_390 = arith.constant 0 : i32
    %dma_wait3A_391 = tpu.memref_slice %arg3[%dma_wait3A_389, %dma_wait3A_390] : memref<50000x128xf32, #tpu.memory_space<hbm>> -> memref<50000x128xf32, #tpu.memory_space<hbm>>
    tpu.wait_indirect_dma semaphore(%arg12 : memref<!tpu.dma_semaphore, #tpu.memory_space<semaphore_mem>>) src(%dma_wait3A_391 : memref<50000x128xf32, #tpu.memory_space<hbm>>) dst(%dma_wait3A_386 : memref<128x128xf32, #tpu.memory_space<vmem>>)
    %dma_wait3A_392 = arith.constant 3 : i32
    %dma_wait3A_393 = arith.constant 0 : i32
    %dma_wait3A_394 = tpu.memref_slice %arg4[%mul3A_2, %dma_wait3A_393] : memref<819200x128xf32, #tpu.memory_space<hbm>> -> memref<128x128xf32, #tpu.memory_space<hbm>>
    %dma_wait3A_395 = arith.constant 0 : i32
    %dma_wait3A_396 = arith.constant 0 : i32
    %dma_wait3A_397 = tpu.memref_slice %arg14[%arg1, %dma_wait3A_392, %dma_wait3A_395, %dma_wait3A_396] : memref<16x4x128x128xf32, #tpu.memory_space<vmem_shared>> -> memref<1x1x128x128xf32, #tpu.memory_space<vmem_shared>>
    %dma_wait3A_398 = tpu.memref_squeeze %dma_wait3A_397 : memref<1x1x128x128xf32, #tpu.memory_space<vmem_shared>> -> memref<128x128xf32, #tpu.memory_space<vmem_shared>>
    tpu.wait_dma2 semaphore(%arg18 : memref<!tpu.dma_semaphore, #tpu.memory_space<semaphore_mem>>) src(%dma_wait3A_398 : memref<128x128xf32, #tpu.memory_space<vmem_shared>>) dst(%dma_wait3A_394 : memref<128x128xf32, #tpu.memory_space<hbm>>)
    %dma_start3A_399 = arith.constant 3 : i32
    %dma_start3A_400 = arith.constant 0 : i32
    %dma_start3A_401 = arith.constant 0 : i32
    %dma_start3A_402 = tpu.memref_slice %arg14[%arg1, %dma_start3A_399, %dma_start3A_400, %dma_start3A_401] : memref<16x4x128x128xf32, #tpu.memory_space<vmem_shared>> -> memref<1x1x128x128xf32, #tpu.memory_space<vmem_shared>>
    %dma_start3A_403 = tpu.memref_squeeze %dma_start3A_402 : memref<1x1x128x128xf32, #tpu.memory_space<vmem_shared>> -> memref<128x128xf32, #tpu.memory_space<vmem_shared>>
    %dma_start3A_404 = arith.constant 0 : i32
    %dma_start3A_405 = arith.constant 0 : i32
    %dma_start3A_406 = tpu.memref_slice %arg14[%arg1, %dma_start3A_399, %dma_start3A_404, %dma_start3A_405] : memref<16x4x128x128xf32, #tpu.memory_space<vmem_shared>> -> memref<1x1x128x128xf32, #tpu.memory_space<vmem_shared>>
    %dma_start3A_407 = tpu.memref_squeeze %dma_start3A_406 : memref<1x1x128x128xf32, #tpu.memory_space<vmem_shared>> -> memref<128x128xf32, #tpu.memory_space<vmem_shared>>
    tpu.enqueue_dma source(%arg11 : memref<128x128xf32, #tpu.memory_space<vmem>>) target(%dma_start3A_407 : memref<128x128xf32, #tpu.memory_space<vmem_shared>>) target_semaphore(%arg13 : memref<!tpu.dma_semaphore, #tpu.memory_space<semaphore_mem>>)
    %dma_wait3A_408 = arith.constant 3 : i32
    %dma_wait3A_409 = arith.constant 0 : i32
    %dma_wait3A_410 = arith.constant 0 : i32
    %dma_wait3A_411 = tpu.memref_slice %arg14[%arg1, %dma_wait3A_408, %dma_wait3A_409, %dma_wait3A_410] : memref<16x4x128x128xf32, #tpu.memory_space<vmem_shared>> -> memref<1x1x128x128xf32, #tpu.memory_space<vmem_shared>>
    %dma_wait3A_412 = tpu.memref_squeeze %dma_wait3A_411 : memref<1x1x128x128xf32, #tpu.memory_space<vmem_shared>> -> memref<128x128xf32, #tpu.memory_space<vmem_shared>>
    %dma_wait3A_413 = arith.constant 0 : i32
    %dma_wait3A_414 = arith.constant 0 : i32
    %dma_wait3A_415 = tpu.memref_slice %arg14[%arg1, %dma_wait3A_408, %dma_wait3A_413, %dma_wait3A_414] : memref<16x4x128x128xf32, #tpu.memory_space<vmem_shared>> -> memref<1x1x128x128xf32, #tpu.memory_space<vmem_shared>>
    %dma_wait3A_416 = tpu.memref_squeeze %dma_wait3A_415 : memref<1x1x128x128xf32, #tpu.memory_space<vmem_shared>> -> memref<128x128xf32, #tpu.memory_space<vmem_shared>>
    tpu.wait_dma2 semaphore(%arg13 : memref<!tpu.dma_semaphore, #tpu.memory_space<semaphore_mem>>) src(%arg11 : memref<128x128xf32, #tpu.memory_space<vmem>>) dst(%dma_wait3A_416 : memref<128x128xf32, #tpu.memory_space<vmem_shared>>)
    %add3A_417 = arith.constant 25472 : i32
    %add3A_418 = arith.addi %mul3A_2, %add3A_417 : i32
    %dma_start3A_419 = arith.constant 3 : i32
    %dma_start3A_420 = arith.constant 0 : i32
    %dma_start3A_421 = tpu.memref_slice %arg4[%add3A_418, %dma_start3A_420] : memref<819200x128xf32, #tpu.memory_space<hbm>> -> memref<128x128xf32, #tpu.memory_space<hbm>>
    %dma_start3A_422 = arith.constant 0 : i32
    %dma_start3A_423 = arith.constant 0 : i32
    %dma_start3A_424 = tpu.memref_slice %arg14[%arg1, %dma_start3A_419, %dma_start3A_422, %dma_start3A_423] : memref<16x4x128x128xf32, #tpu.memory_space<vmem_shared>> -> memref<1x1x128x128xf32, #tpu.memory_space<vmem_shared>>
    %dma_start3A_425 = tpu.memref_squeeze %dma_start3A_424 : memref<1x1x128x128xf32, #tpu.memory_space<vmem_shared>> -> memref<128x128xf32, #tpu.memory_space<vmem_shared>>
    tpu.enqueue_dma source(%dma_start3A_425 : memref<128x128xf32, #tpu.memory_space<vmem_shared>>) target(%dma_start3A_421 : memref<128x128xf32, #tpu.memory_space<hbm>>) target_semaphore(%arg18 : memref<!tpu.dma_semaphore, #tpu.memory_space<semaphore_mem>>)
    %dma_wait3A_426 = arith.constant 0 : i32
    %dma_wait3A_427 = arith.constant 0 : i32
    %dma_wait3A_428 = tpu.memref_slice %arg4[%mul3A_2, %dma_wait3A_427] : memref<819200x128xf32, #tpu.memory_space<hbm>> -> memref<128x128xf32, #tpu.memory_space<hbm>>
    %dma_wait3A_429 = arith.constant 0 : i32
    %dma_wait3A_430 = arith.constant 0 : i32
    %dma_wait3A_431 = tpu.memref_slice %arg14[%arg1, %dma_wait3A_426, %dma_wait3A_429, %dma_wait3A_430] : memref<16x4x128x128xf32, #tpu.memory_space<vmem_shared>> -> memref<1x1x128x128xf32, #tpu.memory_space<vmem_shared>>
    %dma_wait3A_432 = tpu.memref_squeeze %dma_wait3A_431 : memref<1x1x128x128xf32, #tpu.memory_space<vmem_shared>> -> memref<128x128xf32, #tpu.memory_space<vmem_shared>>
    tpu.wait_dma2 semaphore(%arg15 : memref<!tpu.dma_semaphore, #tpu.memory_space<semaphore_mem>>) src(%dma_wait3A_432 : memref<128x128xf32, #tpu.memory_space<vmem_shared>>) dst(%dma_wait3A_428 : memref<128x128xf32, #tpu.memory_space<hbm>>)
    %dma_wait3A_433 = arith.constant 1 : i32
    %dma_wait3A_434 = arith.constant 0 : i32
    %dma_wait3A_435 = tpu.memref_slice %arg4[%mul3A_2, %dma_wait3A_434] : memref<819200x128xf32, #tpu.memory_space<hbm>> -> memref<128x128xf32, #tpu.memory_space<hbm>>
    %dma_wait3A_436 = arith.constant 0 : i32
    %dma_wait3A_437 = arith.constant 0 : i32
    %dma_wait3A_438 = tpu.memref_slice %arg14[%arg1, %dma_wait3A_433, %dma_wait3A_436, %dma_wait3A_437] : memref<16x4x128x128xf32, #tpu.memory_space<vmem_shared>> -> memref<1x1x128x128xf32, #tpu.memory_space<vmem_shared>>
    %dma_wait3A_439 = tpu.memref_squeeze %dma_wait3A_438 : memref<1x1x128x128xf32, #tpu.memory_space<vmem_shared>> -> memref<128x128xf32, #tpu.memory_space<vmem_shared>>
    tpu.wait_dma2 semaphore(%arg16 : memref<!tpu.dma_semaphore, #tpu.memory_space<semaphore_mem>>) src(%dma_wait3A_439 : memref<128x128xf32, #tpu.memory_space<vmem_shared>>) dst(%dma_wait3A_435 : memref<128x128xf32, #tpu.memory_space<hbm>>)
    %dma_wait3A_440 = arith.constant 2 : i32
    %dma_wait3A_441 = arith.constant 0 : i32
    %dma_wait3A_442 = tpu.memref_slice %arg4[%mul3A_2, %dma_wait3A_441] : memref<819200x128xf32, #tpu.memory_space<hbm>> -> memref<128x128xf32, #tpu.memory_space<hbm>>
    %dma_wait3A_443 = arith.constant 0 : i32
    %dma_wait3A_444 = arith.constant 0 : i32
    %dma_wait3A_445 = tpu.memref_slice %arg14[%arg1, %dma_wait3A_440, %dma_wait3A_443, %dma_wait3A_444] : memref<16x4x128x128xf32, #tpu.memory_space<vmem_shared>> -> memref<1x1x128x128xf32, #tpu.memory_space<vmem_shared>>
    %dma_wait3A_446 = tpu.memref_squeeze %dma_wait3A_445 : memref<1x1x128x128xf32, #tpu.memory_space<vmem_shared>> -> memref<128x128xf32, #tpu.memory_space<vmem_shared>>
    tpu.wait_dma2 semaphore(%arg17 : memref<!tpu.dma_semaphore, #tpu.memory_space<semaphore_mem>>) src(%dma_wait3A_446 : memref<128x128xf32, #tpu.memory_space<vmem_shared>>) dst(%dma_wait3A_442 : memref<128x128xf32, #tpu.memory_space<hbm>>)
    %dma_wait3A_447 = arith.constant 3 : i32
    %dma_wait3A_448 = arith.constant 0 : i32
    %dma_wait3A_449 = tpu.memref_slice %arg4[%mul3A_2, %dma_wait3A_448] : memref<819200x128xf32, #tpu.memory_space<hbm>> -> memref<128x128xf32, #tpu.memory_space<hbm>>
    %dma_wait3A_450 = arith.constant 0 : i32
    %dma_wait3A_451 = arith.constant 0 : i32
    %dma_wait3A_452 = tpu.memref_slice %arg14[%arg1, %dma_wait3A_447, %dma_wait3A_450, %dma_wait3A_451] : memref<16x4x128x128xf32, #tpu.memory_space<vmem_shared>> -> memref<1x1x128x128xf32, #tpu.memory_space<vmem_shared>>
    %dma_wait3A_453 = tpu.memref_squeeze %dma_wait3A_452 : memref<1x1x128x128xf32, #tpu.memory_space<vmem_shared>> -> memref<128x128xf32, #tpu.memory_space<vmem_shared>>
    tpu.wait_dma2 semaphore(%arg18 : memref<!tpu.dma_semaphore, #tpu.memory_space<semaphore_mem>>) src(%dma_wait3A_453 : memref<128x128xf32, #tpu.memory_space<vmem_shared>>) dst(%dma_wait3A_449 : memref<128x128xf32, #tpu.memory_space<hbm>>)
    return
  }
}

</mosaic_0001>

<sc_bundles>
// kernel: kernel.3.cloned.1.call-start
scs
__scs_entry_jumppad:
0x0: {  	(pc) =	sbr.rel $0x88, $3  }
0x1: {  	(tag) =	ssettag $0x0;
	lr =	simm.s32 $0x1  }
0x2: {  	[smem:$0x3F9F] =	sst lr;
	_ =	strace $0xD0000000  }
0x3: {  	_ = 	snop  }
0x4: {  	_ = 	snop  }
0x5: {  	_ = 	snop  }
0x6: {  	_ = 	snop  }
0x7: {  	_ = 	snop  }
__scs_overlays_trampoline_lowered:
0x8: {  	[smem:$0x3FAE] =	sst s0  }
0x9: {  	[smem:$0x3FAF] =	sst s1  }
0xa: {  	[smem:$0x3FB0] =	sst s2  }
0xb: {  	[smem:$0x3FB1] =	sst s3  }
0xc: {  	[smem:$0x3FB2] =	sst s4  }
0xd: {  	[smem:$0x3FB3] =	sst s5  }
0xe: {  	[smem:$0x3FB4] =	sst s6  }
0xf: {  	[smem:$0x3FB5] =	sst s7  }
0x10: {  	[smem:$0x3FB6] =	sst s8  }
0x11: {  	[smem:$0x3FB7] =	sst s9;
	s0 =	simm.s32 @!p0 $0x0  }
0x12: {  	s1 =	sld [smem:$0x3F9D];
	s0 =	simm.s32 @p0 $0x1  }
0x13: {  	[smem:$0x3FB8] =	sst s0;
	s0 =	simm.s32 @!p1 $0x0  }
0x14: {  	s2 =	sld [smem:$0x3F9C];
	s0 =	simm.s32 @p1 $0x1  }
0x15: {  	[smem:$0x3FB9] =	sst s0;
	s0 =	simm.s32 @!p2 $0x0  }
0x16: {  	s3 =	sld [smem:$0x3FDB];
	s0 =	simm.s32 @p2 $0x1  }
0x17: {  	s4 =	simm.s32 $0x1BF5;
	[smem:$0x3FBB] =	sst s0  }
0x18: {  	s0 =	sld [smem:$0x3F9E];
	_ =	swait.ge [sflag:s4], $0x0  }
0x19: {  	s7 =	sld [smem:$0x3F9F]  }
0x1a: {  	s8 =	sadd.s32 $0xFFFFE003, lr  }
0x1b: {  	s9 =	sadd.s32 $0xFFFFFEF7, lr;
	s5 =	simm.s32 $0xFFFFFFFF;
	p2 =	slt.u32 s8, $0xFFFFF086  }
0x1c: {  	p1 =	slt.u32 s9, $0xF7A;
	s5 =	simm.s32 @!p2 $0x0  }
0x1d: {  	s5 =	simm.s32 @p1 $0x1;
	p0 =	seq.s32 s7, s2  }
0x1e: {  	s7 =	smul.u32 @!p0 $0xF7A, s2;
	p2 =	seq.s32 @!p0 s5, $0x0  }
0x1f: {  	s9 =	smul.u32 $0xF7A, s1;
	s8 =	simm.s32 @!p0 $0x1BF5;
	p2 =	por !p2, p0  }
0x20: {  	[sflag:s8] =	ssyncset.s32 @!p0 $0xFFFFF086;
	s6 =	sadd.s32 @!p0 s3, s7;
	s7 =	simm.s32 @!p0 $0x108  }
0x21: {  	s3 =	sadd.s32 s3, s9;
	s6 =	sadd.s32 @!p0 $0x88, s6;
	s7 =	simm.s32 @p2 $0x1082  }
0x22: {  	[simem:s7], [sflag:s8] =	dma.local @!p0 [hbm:s6], $0xF7A  }
0x23: {  	s9 =	sor.u32 $0xD0000000, s2;
	s6 =	simm.s32 $0x108;
	_ =	swait.ge @!p0 [sflag:s8], $0x0  }
0x24: {  	s3 =	sadd.s32 $0x88, s3;
	s6 =	simm.s32 @!p1 $0x1082;
	[sflag:s4] =	ssyncset.s32 $0xFFFFF086  }
0x25: {  	[simem:s6], [sflag:s4] =	dma.local [hbm:s3], $0xF7A  }
0x26: {  	[smem:$0x3F9F] =	sst s1;
	(tag) =	ssettag s2;
	_ =	strace s9  }
0x27: {  	s1 =	sld [smem:$0x3FAF]  }
0x28: {  	s2 =	sld [smem:$0x3FB0]  }
0x29: {  	s4 =	sld [smem:$0x3FB2]  }
0x2a: {  	p0 =	seq.s32 s5, $0x0;
	s5 =	sld [smem:$0x3FB3]  }
0x2b: {  	s6 =	sld [smem:$0x3FB4]  }
0x2c: {  	s7 =	sld [smem:$0x3FB5]  }
0x2d: {  	s3 =	simm.s32 $0x108;
	s8 =	sld [smem:$0x3FB6]  }
0x2e: {  	s3 =	simm.s32 @!p0 $0x1082;
	s9 =	sld [smem:$0x3FB7]  }
0x2f: {  	lr =	sadd.s32 s0, s3;
	s0 =	sld [smem:$0x3FAE]  }
0x30: {  	s3 =	sld [smem:$0x3FB1]  }
0x31: {  	[smem:$0x3FBA] =	sst s10  }
0x32: {  	s10 =	sld [smem:$0x3FB8];
	_ =	sdelay $0x3  }
0x33: {  	p0 =	seq.s32 s10, $0x1;
	s10 =	sld [smem:$0x3FBA];
	_ =	sdelay $0x3  }
0x34: {  	[smem:$0x3FBA] =	sst s10  }
0x35: {  	s10 =	sld [smem:$0x3FB9];
	_ =	sdelay $0x3  }
0x36: {  	p1 =	seq.s32 s10, $0x1;
	s10 =	sld [smem:$0x3FBA];
	_ =	sdelay $0x3  }
0x37: {  	[smem:$0x3FBA] =	sst s10  }
0x38: {  	s10 =	sld [smem:$0x3FBB]  }
0x39: {  	_ = 	snop;
	(pc) =	sbr.ind lr, $3  }
0x3a: {  	_ = 	snop  }
0x3b: {  	_ = 	snop  }
0x3c: {  	p2 =	seq.s32 s10, $0x1;
	s10 =	sld [smem:$0x3FBA]  }
0x3d: {  	_ =	shalt  }
0x3e: {  	_ =	shalt  }
0x3f: {  	_ =	shalt  }
0x40: {  	_ =	shalt  }
0x41: {  	_ =	shalt  }
0x42: {  	_ =	shalt  }
0x43: {  	_ =	shalt  }
0x44: {  	_ =	shalt  }
0x45: {  	_ =	shalt  }
0x46: {  	_ =	shalt  }
0x47: {  	_ =	shalt  }
0x48: {  	_ =	shalt  }
0x49: {  	_ =	shalt  }
0x4a: {  	_ =	shalt  }
0x4b: {  	_ =	shalt  }
0x4c: {  	_ =	shalt  }
0x4d: {  	_ =	shalt  }
0x4e: {  	_ =	shalt  }
0x4f: {  	_ =	shalt  }
0x50: {  	_ =	shalt  }
0x51: {  	_ =	shalt  }
0x52: {  	_ =	shalt  }
0x53: {  	_ =	shalt  }
0x54: {  	_ =	shalt  }
0x55: {  	_ =	shalt  }
0x56: {  	_ =	shalt  }
0x57: {  	_ =	shalt  }
0x58: {  	_ =	shalt  }
0x59: {  	_ =	shalt  }
0x5a: {  	_ =	shalt  }
0x5b: {  	_ =	shalt  }
0x5c: {  	_ =	shalt  }
0x5d: {  	_ =	shalt  }
0x5e: {  	_ =	shalt  }
0x5f: {  	_ =	shalt  }
0x60: {  	_ =	shalt  }
0x61: {  	_ =	shalt  }
0x62: {  	_ =	shalt  }
0x63: {  	_ =	shalt  }
0x64: {  	_ =	shalt  }
0x65: {  	_ =	shalt  }
0x66: {  	_ =	shalt  }
0x67: {  	_ =	shalt  }
0x68: {  	_ =	shalt  }
0x69: {  	_ =	shalt  }
0x6a: {  	_ =	shalt  }
0x6b: {  	_ =	shalt  }
0x6c: {  	_ =	shalt  }
0x6d: {  	_ =	shalt  }
0x6e: {  	_ =	shalt  }
0x6f: {  	_ =	shalt  }
0x70: {  	_ =	shalt  }
0x71: {  	_ =	shalt  }
0x72: {  	_ =	shalt  }
0x73: {  	_ =	shalt  }
0x74: {  	_ =	shalt  }
0x75: {  	_ =	shalt  }
0x76: {  	_ =	shalt  }
0x77: {  	_ =	shalt  }
0x78: {  	_ =	shalt  }
0x79: {  	_ =	shalt  }
0x7a: {  	_ =	shalt  }
0x7b: {  	_ =	shalt  }
0x7c: {  	_ =	shalt  }
0x7d: {  	_ =	shalt  }
0x7e: {  	_ =	shalt  }
0x7f: {  	_ =	shalt  }
0x80: {  	_ =	shalt  }
0x81: {  	_ =	shalt  }
0x82: {  	_ =	shalt  }
0x83: {  	_ =	shalt  }
0x84: {  	_ =	shalt  }
0x85: {  	_ =	shalt  }
0x86: {  	_ =	shalt  }
0x87: {  	_ =	shalt  }
.Lfunc_end0:
.L_simem_size_0:
called_computation_lowered:
.L_overlay_start_0:
0x88: {  	s2 =	sld [smem:$0x3FD9]  }
0x89: {  	s3 =	sld [smem:$0x3FFE];
	_ =	sdelay $0x1  }
0x8a: {  	s1 =	srdreg.scid  }
0x8b: {  	s0 =	sand.u32 $0x1, s1  }
0x8c: {  	s17 =	sshll.u32 s0, $0xA;
	s2 =	sadd.s32 s3, s2  }
0x8d: {  	s2 =	sadd.s32 s2, s17  }
0x8e: {  	[smem:$0x3FC6] =	sst s2  }
0x8f: {  	_ = 	snop  }
0x90: {  	s2 =	sld [smem:$0x3FC8]  }
0x91: {  	s18 =	sld [smem:$0x3FD0];
	(tm) =	ssettm $0x1  }
0x92: {  	s4 =	sld [smem:$0x3FFB];
	_ =	sdelay $0x3  }
0x93: {  	_ =	strace s4  }
0x94: {  	s4 =	sld [smem:$0x3FFC];
	_ =	sdelay $0x3  }
0x95: {  	_ =	strace s4  }
0x96: {  	s4 =	sld [smem:$0x3FFD];
	_ =	sdelay $0x3  }
0x97: {  	_ =	strace s4  }
0x98: {  	_ =	strace $0x8FFFFFFF  }
0x99: {  	s19 =	sld [smem:$0x3FDB];
	_ =	sdelay $0x1  }
0x9a: {  	s5 =	simm.s32 $_scs_section_size  }
0x9b: {  	s6 =	simm.s32 $_size__tile_overlayer_lowered;
	s7 =	simm.s32 $_tile_overlayer_lowered  }
0x9c: {  	s22 =	simm.s32 $0x1BFF;
	s21 =	sshll.u32 s7, $0x1;
	s4 =	sadd.s32 s5, s19  }
0x9d: {  	s8 =	simm.s32 $0x0;
	s20 =	sshll.u32 s6, $0x1;
	s6 =	sadd.s32 s21, s4  }
0x9e: {  	[timem:s8], [sflag:s22] =	dma.local [hbm:s6], s20  }
0x9f: {  	_ =	swait.ge [sflag:s22], s20  }
0xa0: {  	s5 =	ssub.s32 $0x0, s20;
	[sflag:s22] =	ssyncset.done $0x0  }
0xa1: {  	[sflag:s22] =	ssyncadd.s32 s5;
	_ =	sdelay $0x1  }
0xa2: {  	s23 =	simm.s32 $0x1B8B  }
0xa3: {  	_ =	swait.ge [sflag:s23], $0x1  }
0xa4: {  	[sflag:s23] =	ssyncset.done $0x0  }
0xa5: {  	s25 =	simm.s32 $0x1B8E;
	s24 =	sld [smem:$0x3FFE];
	[sflag:s23] =	ssyncadd.s32 $0xFFFFFFFF  }
0xa6: {  	s26 =	simm.s32 $execute0_lowered;
	[smem:$0x3FD2] =	sst s25  }
0xa7: {  	s6 =	sshll.u32 s26, $0x1;
	_ =	strace $0x80000046;
	[dreg:$0x1] =	wrdreg $0xFFFFFFFF  }
0xa8: {  	s28 =	simm.s32 $_size_execute0_lowered;
	s4 =	sadd.s32 s4, s6;
	[dreg:$0x0] =	wrdreg $0x0  }
0xa9: {  	s6 =	sshll.u32 s28, $0x1;
	[dreg:$0x2] =	wrdreg s4  }
0xaa: {  	[dreg:$0x3] =	wrdreg s6  }
0xab: {  	[dreg:$0x4] =	wrdreg $0xC0  }
0xac: {  	_ =	task [dreg:s8], $0x5FFFF  }
0xad: {  	[dreg:$0x1] =	wrdreg $0xFFFFFFFF  }
0xae: {  	[dreg:$0x0] =	wrdreg $0x60  }
0xaf: {  	[dreg:$0x2] =	wrdreg s24  }
0xb0: {  	[dreg:$0x3] =	wrdreg s2  }
0xb1: {  	[dreg:$0x4] =	wrdreg s18  }
0xb2: {  	[dreg:$0x5] =	wrdreg $0xE5000  }
0xb3: {  	[dreg:$0x6] =	wrdreg $0x9  }
0xb4: {  	_ =	task.clear_ibuf [dreg:s8], $0x7FFFF;
	_ =	strace $0x90000046  }
0xb5: {  	s29 =	simm.s32 $0x9;
	_ =	strace $0x80000048  }
0xb6: {  	_ =	swait.ge [sflag:s29], $0x1  }
0xb7: {  	[sflag:s29] =	ssyncadd.s32 $0xFFFFFFFF  }
0xb8: {  	_ =	strace $0x90000048  }
0xb9: {  	_ =	sfence  }
0xba: {  	s30 =	sld [smem:$0x0];
	_ =	sdelay $0x2  }
0xbb: {  	s31 =	sshll.u32 s1, $0xD;
	s1 =	sshrl.u32 s1, $0x2  }
0xbc: {  	s3 =	sand.u32 $0x4000, s31;
	s1 =	sadd.s32 s1, s30  }
0xbd: {  	s0 =	sor.u32 s3, s0;
	s1 =	sshll.u32 s1, $0x11  }
0xbe: {  	s0 =	sor.u32 s1, s0  }
0xbf: {  	s0 =	sadd.s32 $0x8F2B, s0  }
0xc0: {  	[sflag:s0] =	ssyncadd.remote.s32 $0x1  }
0xc1: {  	_ =	sfence.sel $0xFFFF  }
0xc2: {  	[dreg:$0x0] =	wrdreg $0xFFFFFFFF;
	(pc) =	sbr.abs _section_cstart, $3  }
0xc3: {  	[dreg:$0x1] =	wrdreg $0xFFFFFFFF  }
0xc4: {  	_ =	task.clear_ibuf [dreg:s8], $0x2FFFF;
	_ =	strace $0x9FFFFFFF  }
0xc5: {  	(tm) =	ssettm $0x7FFFFFFF  }
tec
execute0_lowered:
.L_overlay_start_1:
0x0: {  	(tag) =	ssettag $0x1  }
0x1: {  	s0 =	rddreg [dreg:$0x0]  }
0x2: {  	s1 =	rddreg [dreg:$0x1]  }
0x3: {  	s2 =	rddreg [dreg:$0x2];
	s3 =	srdreg.scid  }
0x4: {  	s11 =	stileid.u32;
	s4 =	rddreg [dreg:$0x3];
	s6 =	simm.s32 $0x0  }
0x5: {  	s28 =	simm.s32 $0x4;
	s29 =	simm.s32 $0x5;
	s13 =	smul.u32 $0xC8000, s11  }
0x6: {  	s30 =	simm.s32 $0x6;
	s3 =	sand.u32 $0x1, s3;
	s16 =	smul.u32 $0x640000, s11  }
0x7: {  	s31 =	simm.s32 $0x7;
	s5 =	sshll.u32 s11, $0x1;
	s15 =	smul.u32 $0x64000, s3  }
0x8: {  	s5 =	sor.u32 s3, s5;
	s7 =	ssub.s32 $0x2, s3;
	s3 =	smul.u32 $0x320000, s3  }
0x9: {  	[smem:$0x7FF] =	sst s6;
	s12 =	sshll.u32 s11, $0x10;
	s26 =	smul.u32 $0xC80, s5  }
0xa: {  	_ =	strace $0x80000047;
	s8 =	sshrl.u32 s7, $0x1;
	s9 =	smul.u32 $0x64000, s5  }
0xb: {  	s10 =	smul.u32 $0x320000, s5;
	s5 =	sadd.s32 s12, s4;
	s8 =	ssub.s32 s7, s8  }
0xc: {  	s7 =	sadd.s32 $0x4000, s5;
	s11 =	sadd.s32 $0xC000, s5;
	s3 =	sadd.s32 s3, s16  }
0xd: {  	s0 =	sadd.s32 s26, s0;
	s6 =	sadd.s32 s2, s9;
	s9 =	sadd.s32 $0x8000, s5  }
0xe: {  	s10 =	sshrl.u32 s10, $0x3;
	s19 =	sor.u32 $0x10000, s3;
	s21 =	sor.u32 $0x1C000, s3  }
0xf: {  	s3 =	sor.u32 $0x18000, s3;
	s26 =	smax.u32 s8, $0x1;
	[dreg:$0xa] =	wrdreg s6  }
0x10: {  	s0 =	sadd.s32 $0x400, s0;
	s14 =	sadd.s32 $0x800, s6;
	[dreg:$0x12] =	wrdreg s26  }
0x11: {  	s12 =	sadd.s32 $0x1000, s6;
	s6 =	sadd.s32 $0x1800, s6;
	[dreg:$0x9] =	wrdreg s0  }
0x12: {  	s10 =	sadd.s32 s2, s10;
	s20 =	sshrl.u32 s19, $0x3;
	[dreg:$0xb] =	wrdreg s14  }
0x13: {  	v0 =	vimm.f32 $1.999999950e-05;
	s4 =	sshrl.u32 s21, $0x3;
	s3 =	sshrl.u32 s3, $0x3;
	[dreg:$0xc] =	wrdreg s12  }
0x14: {  	(erf) = vrcp.f32 v0;
	s19 =	simm.s32 $0x80;
	[dreg:$0xd] =	wrdreg s6;
	s17 =	sadd.s32 $0x62000, s10  }
0x15: {  	s21 =	simm.s32 $0x6480;
	s18 =	sadd.s32 $0x62800, s10;
	[dreg:$0xe] =	wrdreg s17  }
0x16: {  	s26 =	simm.s32 $0x3;
	s23 =	sadd.s32 $0x63000, s10;
	[dreg:$0xf] =	wrdreg s18  }
0x17: {  	s0 =	sadd.s32 s13, s2;
	s22 =	sadd.s32 s4, s2;
	[dreg:$0x10] =	wrdreg s23  }
0x18: {  	s24 =	sadd.s32 s3, s2;
	s25 =	sadd.s32 $0x63800, s10;
	[dreg:$0x7] =	wrdreg s22  }
0x19: {  	s3 =	simm.s32 $0x0;
	s0 =	sadd.s32 s15, s0;
	[dreg:$0x11] =	wrdreg s25  }
0x1a: {  	[dreg:$0x8] =	wrdreg s24;
	s18 =	simm.s32 $0x9;
	s22 =	simm.s32 $0xA480  }
0x1b: {  	s23 =	simm.s32 $0xA500;
	s24 =	simm.s32 $0x1;
	s0 =	sadd.s32 $0x2800, s0  }
0x1c: {  	s25 =	simm.s32 $0x2;
	[dreg:$0x5] =	wrdreg s0;
	s0 =	sadd.s32 s20, s2  }
0x1d: {  	s20 =	simm.s32 $0x6400;
	s2 =	simm.s32 $0x8;
	[dreg:$0x6] =	wrdreg s0;
	v0 =	vpop (erf)  }
.LBB2_1:
0x1e: {  	s0 =	simm.s32 $0x0;
	s4 =	rddreg [dreg:$0x9]  }
0x1f: {  	[tilespmem:s0], [sflag:$0x9] =	stream.linear.gather [hbm4b:s4+s0], $0x6400, $0x38;
	[tilespmem:$0x1E500] =	vst v63  }
0x20: {  	_ =	swait.ge [sflag:s18], $0x6400  }
0x21: {  	[sflag:s18] =	ssyncset.done $0x0  }
0x22: {  	[sflag:s18] =	ssyncadd.s32 $0xFFFF9C00  }
0x23: {  	v1 =	vld [tilespmem:$0x0]  }
0x24: {  	v2 =	vld [tilespmem:$0x10]  }
0x25: {  	v3 =	vld [tilespmem:$0x20]  }
0x26: {  	v4 =	vld [tilespmem:$0x30]  }
0x27: {  	v5 =	vld [tilespmem:$0x40]  }
0x28: {  	v6 =	vld [tilespmem:$0x50]  }
0x29: {  	v7 =	vld [tilespmem:$0x60]  }
0x2a: {  	v8 =	vld [tilespmem:$0x70]  }
0x2b: {  	v1 =	vmul.f32 v1, v0  }
0x2c: {  	v2 =	vmul.f32 v2, v0;
	v3 =	vmul.f32 v3, v0  }
0x2d: {  	v4 =	vmul.f32 v4, v0;
	v5 =	vmul.f32 v5, v0  }
0x2e: {  	v6 =	vmul.f32 v6, v0;
	v7 =	vmul.f32 v7, v0  }
0x2f: {  	v8 =	vmul.f32 v8, v0;
	v1 =	vtrunc.f32 v1  }
0x30: {  	v2 =	vtrunc.f32 v2;
	v3 =	vtrunc.f32 v3  }
0x31: {  	v4 =	vtrunc.f32 v4;
	v5 =	vtrunc.f32 v5  }
0x32: {  	v6 =	vtrunc.f32 v6;
	v16 =	vtrunc.f32 v7  }
0x33: {  	v17 =	vtrunc.f32 v8;
	v1 =	vcvt.f32.s32 v1  }
0x34: {  	v2 =	vcvt.f32.s32 v2;
	v3 =	vcvt.f32.s32 v3  }
0x35: {  	v4 =	vcvt.f32.s32 v4;
	v5 =	vcvt.f32.s32 v5  }
0x36: {  	v15 =	vcvt.f32.s32 v6;
	v18 =	vcvt.f32.s32 v17;
	vm0 =	vgt.s32 v1, $0x0  }
0x37: {  	vm7 =	vgt.s32 v2, $0x0;
	vm8 =	vgt.s32 v3, $0x0;
	v1 =	vnsel vm0, $0x0, v1  }
0x38: {  	vm9 =	vgt.s32 v4, $0x0;
	v2 =	vnsel vm7, $0x0, v2;
	v1 =	vmin.u32 v1, $0xC34F  }
0x39: {  	vm10 =	vgt.s32 v5, $0x0;
	v3 =	vnsel vm8, $0x0, v3;
	v2 =	vmin.u32 v2, $0xC34F;
	[tilespmem:$0x6400] =	vst v1  }
0x3a: {  	v4 =	vnsel vm9, $0x0, v4;
	v3 =	vmin.u32 v3, $0xC34F;
	[tilespmem:$0x6410] =	vst v2;
	v2 =	vcvt.f32.s32 v16  }
0x3b: {  	vm11 =	vgt.s32 v15, $0x0;
	v1 =	vmin.u32 v4, $0xC34F;
	[tilespmem:$0x6420] =	vst v3;
	v3 =	vnsel vm10, $0x0, v5  }
0x3c: {  	[tilespmem:$0x6430] =	vst v1;
	v1 =	vmin.u32 v3, $0xC34F;
	v3 =	vnsel vm11, $0x0, v15;
	vm12 =	vgt.s32 v2, $0x0  }
0x3d: {  	vm13 =	vgt.s32 v18, $0x0;
	[tilespmem:$0x6440] =	vst v1;
	v1 =	vmin.u32 v3, $0xC34F;
	v2 =	vnsel vm12, $0x0, v2  }
0x3e: {  	[tilespmem:$0x6450] =	vst v1;
	v1 =	vmin.u32 v2, $0xC34F;
	v2 =	vnsel vm13, $0x0, v18  }
0x3f: {  	[tilespmem:$0x6460] =	vst v1;
	v1 =	vmin.u32 v2, $0xC34F  }
0x40: {  	[tilespmem:$0x6470] =	vst v1  }
0x41: {  	[tilespmem:s21], [sflag:$0x1] =	stream.indirect.gather [hbm4b:s1+s19], $0x80, s20, s19, $0xb8;
	[tilespmem:$0x1E500] =	vst v63  }
0x42: {  	v1 =	vld [tilespmem:$0x80]  }
0x43: {  	v2 =	vld [tilespmem:$0x90]  }
0x44: {  	v3 =	vld [tilespmem:$0xA0]  }
0x45: {  	v19 =	vld [tilespmem:$0xB0]  }
0x46: {  	v20 =	vld [tilespmem:$0xC0]  }
0x47: {  	v21 =	vld [tilespmem:$0xD0]  }
0x48: {  	v22 =	vld [tilespmem:$0xE0]  }
0x49: {  	v23 =	vld [tilespmem:$0xF0]  }
0x4a: {  	v1 =	vmul.f32 v1, v0  }
0x4b: {  	v2 =	vmul.f32 v2, v0;
	v3 =	vmul.f32 v3, v0  }
0x4c: {  	v4 =	vmul.f32 v19, v0;
	v5 =	vmul.f32 v20, v0  }
0x4d: {  	v6 =	vmul.f32 v21, v0;
	v7 =	vmul.f32 v22, v0  }
0x4e: {  	v8 =	vmul.f32 v23, v0;
	v1 =	vtrunc.f32 v1  }
0x4f: {  	v2 =	vtrunc.f32 v2;
	v3 =	vtrunc.f32 v3  }
0x50: {  	v4 =	vtrunc.f32 v4;
	v5 =	vtrunc.f32 v5  }
0x51: {  	v6 =	vtrunc.f32 v6;
	v25 =	vtrunc.f32 v7  }
0x52: {  	v26 =	vtrunc.f32 v8;
	v1 =	vcvt.f32.s32 v1  }
0x53: {  	v2 =	vcvt.f32.s32 v2;
	v3 =	vcvt.f32.s32 v3  }
0x54: {  	v4 =	vcvt.f32.s32 v4;
	v5 =	vcvt.f32.s32 v5  }
0x55: {  	v24 =	vcvt.f32.s32 v6;
	v27 =	vcvt.f32.s32 v26;
	vm14 =	vgt.s32 v1, $0x0  }
0x56: {  	vm15 =	vgt.s32 v2, $0x0;
	vm4 =	vgt.s32 v3, $0x0;
	v1 =	vnsel vm14, $0x0, v1  }
0x57: {  	vm5 =	vgt.s32 v4, $0x0;
	v2 =	vnsel vm15, $0x0, v2;
	v1 =	vmin.u32 v1, $0xC34F  }
0x58: {  	vm6 =	vgt.s32 v5, $0x0;
	v3 =	vnsel vm4, $0x0, v3;
	v2 =	vmin.u32 v2, $0xC34F;
	[tilespmem:$0xA480] =	vst v1  }
0x59: {  	v4 =	vnsel vm5, $0x0, v4;
	v3 =	vmin.u32 v3, $0xC34F;
	[tilespmem:$0xA490] =	vst v2;
	v2 =	vcvt.f32.s32 v25  }
0x5a: {  	vm7 =	vgt.s32 v24, $0x0;
	v1 =	vmin.u32 v4, $0xC34F;
	[tilespmem:$0xA4A0] =	vst v3;
	v3 =	vnsel vm6, $0x0, v5  }
0x5b: {  	[tilespmem:$0xA4B0] =	vst v1;
	v1 =	vmin.u32 v3, $0xC34F;
	v3 =	vnsel vm7, $0x0, v24;
	vm8 =	vgt.s32 v2, $0x0  }
0x5c: {  	vm9 =	vgt.s32 v27, $0x0;
	[tilespmem:$0xA4C0] =	vst v1;
	v1 =	vmin.u32 v3, $0xC34F;
	v2 =	vnsel vm8, $0x0, v2  }
0x5d: {  	[tilespmem:$0xA4D0] =	vst v1;
	v1 =	vmin.u32 v2, $0xC34F;
	v2 =	vnsel vm9, $0x0, v27  }
0x5e: {  	[tilespmem:$0xA4E0] =	vst v1;
	v1 =	vmin.u32 v2, $0xC34F  }
0x5f: {  	[tilespmem:$0xA4F0] =	vst v1  }
0x60: {  	[tilespmem:s23], [sflag:$0x3] =	stream.indirect.gather [hbm4b:s1+s19], $0x80, s22, s19, $0xb8;
	[tilespmem:$0x1E500] =	vst v63  }
0x61: {  	_ =	swait.ge [sflag:s24], $0x4000  }
0x62: {  	[sflag:s24] =	ssyncset.done $0x0  }
0x63: {  	[sflag:s24] =	ssyncadd.s32 $0xFFFFC000  }
0x64: {  	[spmem:s5] =	stream.linear.scatter [tilespmem:s21], [sflag:$0x2], $0x4000, $0x38;
	[tilespmem:$0x1E500] =	vst v63  }
0x65: {  	v1 =	vld [tilespmem:$0x100]  }
0x66: {  	v2 =	vld [tilespmem:$0x110]  }
0x67: {  	v3 =	vld [tilespmem:$0x120]  }
0x68: {  	v28 =	vld [tilespmem:$0x130]  }
0x69: {  	v29 =	vld [tilespmem:$0x140]  }
0x6a: {  	v30 =	vld [tilespmem:$0x150]  }
0x6b: {  	v31 =	vld [tilespmem:$0x160]  }
0x6c: {  	v32 =	vld [tilespmem:$0x170]  }
0x6d: {  	v1 =	vmul.f32 v1, v0  }
0x6e: {  	v2 =	vmul.f32 v2, v0;
	v3 =	vmul.f32 v3, v0  }
0x6f: {  	v4 =	vmul.f32 v28, v0;
	v5 =	vmul.f32 v29, v0  }
0x70: {  	v6 =	vmul.f32 v30, v0;
	v7 =	vmul.f32 v31, v0  }
0x71: {  	v8 =	vmul.f32 v32, v0;
	v1 =	vtrunc.f32 v1  }
0x72: {  	v2 =	vtrunc.f32 v2;
	v3 =	vtrunc.f32 v3  }
0x73: {  	v4 =	vtrunc.f32 v4;
	v5 =	vtrunc.f32 v5  }
0x74: {  	v6 =	vtrunc.f32 v6;
	v34 =	vtrunc.f32 v7  }
0x75: {  	v35 =	vtrunc.f32 v8;
	v1 =	vcvt.f32.s32 v1  }
0x76: {  	v2 =	vcvt.f32.s32 v2;
	v3 =	vcvt.f32.s32 v3  }
0x77: {  	v4 =	vcvt.f32.s32 v4;
	v5 =	vcvt.f32.s32 v5  }
0x78: {  	v33 =	vcvt.f32.s32 v6;
	v36 =	vcvt.f32.s32 v35;
	vm10 =	vgt.s32 v1, $0x0  }
0x79: {  	vm11 =	vgt.s32 v2, $0x0;
	vm12 =	vgt.s32 v3, $0x0;
	v1 =	vnsel vm10, $0x0, v1  }
0x7a: {  	vm13 =	vgt.s32 v4, $0x0;
	v2 =	vnsel vm11, $0x0, v2;
	v1 =	vmin.u32 v1, $0xC34F  }
0x7b: {  	vm14 =	vgt.s32 v5, $0x0;
	v3 =	vnsel vm12, $0x0, v3;
	v2 =	vmin.u32 v2, $0xC34F;
	[tilespmem:$0x6400] =	vst v1  }
0x7c: {  	v4 =	vnsel vm13, $0x0, v4;
	v3 =	vmin.u32 v3, $0xC34F;
	[tilespmem:$0x6410] =	vst v2;
	v2 =	vcvt.f32.s32 v34  }
0x7d: {  	vm15 =	vgt.s32 v33, $0x0;
	v1 =	vmin.u32 v4, $0xC34F;
	[tilespmem:$0x6420] =	vst v3;
	v3 =	vnsel vm14, $0x0, v5  }
0x7e: {  	[tilespmem:$0x6430] =	vst v1;
	v1 =	vmin.u32 v3, $0xC34F;
	v3 =	vnsel vm15, $0x0, v33;
	vm4 =	vgt.s32 v2, $0x0  }
0x7f: {  	vm5 =	vgt.s32 v36, $0x0;
	[tilespmem:$0x6440] =	vst v1;
	v1 =	vmin.u32 v3, $0xC34F;
	v2 =	vnsel vm4, $0x0, v2  }
0x80: {  	[tilespmem:$0x6450] =	vst v1;
	v1 =	vmin.u32 v2, $0xC34F;
	v2 =	vnsel vm5, $0x0, v36  }
0x81: {  	[tilespmem:$0x6460] =	vst v1;
	v1 =	vmin.u32 v2, $0xC34F  }
0x82: {  	[tilespmem:$0x6470] =	vst v1  }
0x83: {  	s14 =	stileid.u32;
	_ =	swait.ge [sflag:s25], $0x4000  }
0x84: {  	s10 =	sshrl.u32 s5, $0x3;
	s14 =	sshll.u32 s14, $0x6;
	[sflag:s25] =	ssyncset.done $0x0  }
0x85: {  	s4 =	sor.u32 $0x1C05, s14;
	s15 =	rddreg [dreg:$0xa];
	[sflag:s25] =	ssyncadd.s32 $0xFFFFC000  }
0x86: {  	[hbm:s15], [sflag:s4] =	dma.local [spmem:s10], $0x800  }
0x87: {  	[tilespmem:s21], [sflag:$0x1] =	stream.indirect.gather [hbm4b:s1+s19], $0x80, s20, s19, $0xb8;
	[tilespmem:$0x1E500] =	vst v63  }
0x88: {  	_ =	swait.ge [sflag:s26], $0x4000  }
0x89: {  	[sflag:s26] =	ssyncset.done $0x0  }
0x8a: {  	[sflag:s26] =	ssyncadd.s32 $0xFFFFC000  }
0x8b: {  	[spmem:s7] =	stream.linear.scatter [tilespmem:s23], [sflag:$0x4], $0x4000, $0x38;
	[tilespmem:$0x1E500] =	vst v63  }
0x8c: {  	v1 =	vld [tilespmem:$0x180]  }
0x8d: {  	v2 =	vld [tilespmem:$0x190]  }
0x8e: {  	v3 =	vld [tilespmem:$0x1A0]  }
0x8f: {  	v37 =	vld [tilespmem:$0x1B0]  }
0x90: {  	v38 =	vld [tilespmem:$0x1C0]  }
0x91: {  	v39 =	vld [tilespmem:$0x1D0]  }
0x92: {  	v40 =	vld [tilespmem:$0x1E0]  }
0x93: {  	v41 =	vld [tilespmem:$0x1F0]  }
0x94: {  	v1 =	vmul.f32 v1, v0  }
0x95: {  	v2 =	vmul.f32 v2, v0;
	v3 =	vmul.f32 v3, v0  }
0x96: {  	v4 =	vmul.f32 v37, v0;
	v5 =	vmul.f32 v38, v0  }
0x97: {  	v6 =	vmul.f32 v39, v0;
	v7 =	vmul.f32 v40, v0  }
0x98: {  	v8 =	vmul.f32 v41, v0;
	v1 =	vtrunc.f32 v1  }
0x99: {  	v2 =	vtrunc.f32 v2;
	v3 =	vtrunc.f32 v3  }
0x9a: {  	v4 =	vtrunc.f32 v4;
	v5 =	vtrunc.f32 v5  }
0x9b: {  	v6 =	vtrunc.f32 v6;
	v43 =	vtrunc.f32 v7  }
0x9c: {  	v44 =	vtrunc.f32 v8;
	v1 =	vcvt.f32.s32 v1  }
0x9d: {  	v2 =	vcvt.f32.s32 v2;
	v3 =	vcvt.f32.s32 v3  }
0x9e: {  	v4 =	vcvt.f32.s32 v4;
	v5 =	vcvt.f32.s32 v5  }
0x9f: {  	v42 =	vcvt.f32.s32 v6;
	v45 =	vcvt.f32.s32 v44;
	vm6 =	vgt.s32 v1, $0x0  }
0xa0: {  	vm7 =	vgt.s32 v2, $0x0;
	vm8 =	vgt.s32 v3, $0x0;
	v1 =	vnsel vm6, $0x0, v1  }
0xa1: {  	vm9 =	vgt.s32 v4, $0x0;
	v2 =	vnsel vm7, $0x0, v2;
	v1 =	vmin.u32 v1, $0xC34F  }
0xa2: {  	vm10 =	vgt.s32 v5, $0x0;
	v3 =	vnsel vm8, $0x0, v3;
	v2 =	vmin.u32 v2, $0xC34F;
	[tilespmem:$0xA480] =	vst v1  }
0xa3: {  	v4 =	vnsel vm9, $0x0, v4;
	v3 =	vmin.u32 v3, $0xC34F;
	[tilespmem:$0xA490] =	vst v2;
	v2 =	vcvt.f32.s32 v43  }
0xa4: {  	vm11 =	vgt.s32 v42, $0x0;
	v1 =	vmin.u32 v4, $0xC34F;
	[tilespmem:$0xA4A0] =	vst v3;
	v3 =	vnsel vm10, $0x0, v5  }
0xa5: {  	[tilespmem:$0xA4B0] =	vst v1;
	v1 =	vmin.u32 v3, $0xC34F;
	v3 =	vnsel vm11, $0x0, v42;
	vm12 =	vgt.s32 v2, $0x0  }
0xa6: {  	vm13 =	vgt.s32 v45, $0x0;
	[tilespmem:$0xA4C0] =	vst v1;
	v1 =	vmin.u32 v3, $0xC34F;
	v2 =	vnsel vm12, $0x0, v2  }
0xa7: {  	[tilespmem:$0xA4D0] =	vst v1;
	v1 =	vmin.u32 v2, $0xC34F;
	v2 =	vnsel vm13, $0x0, v45  }
0xa8: {  	[tilespmem:$0xA4E0] =	vst v1;
	v1 =	vmin.u32 v2, $0xC34F  }
0xa9: {  	[tilespmem:$0xA4F0] =	vst v1  }
0xaa: {  	_ =	swait.ge [sflag:s28], $0x4000  }
0xab: {  	s8 =	sshrl.u32 s7, $0x3;
	[sflag:s28] =	ssyncset.done $0x0  }
0xac: {  	s0 =	sor.u32 $0x1C06, s14;
	s6 =	rddreg [dreg:$0xb];
	[sflag:s28] =	ssyncadd.s32 $0xFFFFC000  }
0xad: {  	[hbm:s6], [sflag:s0] =	dma.local [spmem:s8], $0x800  }
0xae: {  	[tilespmem:s23], [sflag:$0x3] =	stream.indirect.gather [hbm4b:s1+s19], $0x80, s22, s19, $0xb8;
	[tilespmem:$0x1E500] =	vst v63  }
0xaf: {  	_ =	swait.ge [sflag:s24], $0x4000  }
0xb0: {  	[sflag:s24] =	ssyncset.done $0x0  }
0xb1: {  	[sflag:s24] =	ssyncadd.s32 $0xFFFFC000  }
0xb2: {  	[spmem:s9] =	stream.linear.scatter [tilespmem:s21], [sflag:$0x2], $0x4000, $0x38;
	[tilespmem:$0x1E500] =	vst v63  }
0xb3: {  	v1 =	vld [tilespmem:$0x200]  }
0xb4: {  	v2 =	vld [tilespmem:$0x210]  }
0xb5: {  	v3 =	vld [tilespmem:$0x220]  }
0xb6: {  	v46 =	vld [tilespmem:$0x230]  }
0xb7: {  	v47 =	vld [tilespmem:$0x240]  }
0xb8: {  	v48 =	vld [tilespmem:$0x250]  }
0xb9: {  	v49 =	vld [tilespmem:$0x260]  }
0xba: {  	v50 =	vld [tilespmem:$0x270]  }
0xbb: {  	v1 =	vmul.f32 v1, v0  }
0xbc: {  	v2 =	vmul.f32 v2, v0;
	v3 =	vmul.f32 v3, v0  }
0xbd: {  	v4 =	vmul.f32 v46, v0;
	v5 =	vmul.f32 v47, v0  }
0xbe: {  	v6 =	vmul.f32 v48, v0;
	v7 =	vmul.f32 v49, v0  }
0xbf: {  	v8 =	vmul.f32 v50, v0;
	v1 =	vtrunc.f32 v1  }
0xc0: {  	v2 =	vtrunc.f32 v2;
	v3 =	vtrunc.f32 v3  }
0xc1: {  	v4 =	vtrunc.f32 v4;
	v5 =	vtrunc.f32 v5  }
0xc2: {  	v6 =	vtrunc.f32 v6;
	v52 =	vtrunc.f32 v7  }
0xc3: {  	v53 =	vtrunc.f32 v8;
	v1 =	vcvt.f32.s32 v1  }
0xc4: {  	v2 =	vcvt.f32.s32 v2;
	v3 =	vcvt.f32.s32 v3  }
0xc5: {  	v4 =	vcvt.f32.s32 v4;
	v5 =	vcvt.f32.s32 v5  }
0xc6: {  	v51 =	vcvt.f32.s32 v6;
	v54 =	vcvt.f32.s32 v53;
	vm14 =	vgt.s32 v1, $0x0  }
0xc7: {  	vm15 =	vgt.s32 v2, $0x0;
	vm4 =	vgt.s32 v3, $0x0;
	v1 =	vnsel vm14, $0x0, v1  }
0xc8: {  	vm5 =	vgt.s32 v4, $0x0;
	v2 =	vnsel vm15, $0x0, v2;
	v1 =	vmin.u32 v1, $0xC34F  }
0xc9: {  	vm6 =	vgt.s32 v5, $0x0;
	v3 =	vnsel vm4, $0x0, v3;
	v2 =	vmin.u32 v2, $0xC34F;
	[tilespmem:$0x6400] =	vst v1  }
0xca: {  	v4 =	vnsel vm5, $0x0, v4;
	v3 =	vmin.u32 v3, $0xC34F;
	[tilespmem:$0x6410] =	vst v2;
	v2 =	vcvt.f32.s32 v52  }
0xcb: {  	vm7 =	vgt.s32 v51, $0x0;
	v1 =	vmin.u32 v4, $0xC34F;
	[tilespmem:$0x6420] =	vst v3;
	v3 =	vnsel vm6, $0x0, v5  }
0xcc: {  	[tilespmem:$0x6430] =	vst v1;
	v1 =	vmin.u32 v3, $0xC34F;
	v3 =	vnsel vm7, $0x0, v51;
	vm8 =	vgt.s32 v2, $0x0  }
0xcd: {  	vm9 =	vgt.s32 v54, $0x0;
	[tilespmem:$0x6440] =	vst v1;
	v1 =	vmin.u32 v3, $0xC34F;
	v2 =	vnsel vm8, $0x0, v2  }
0xce: {  	[tilespmem:$0x6450] =	vst v1;
	v1 =	vmin.u32 v2, $0xC34F;
	v2 =	vnsel vm9, $0x0, v54  }
0xcf: {  	[tilespmem:$0x6460] =	vst v1;
	v1 =	vmin.u32 v2, $0xC34F  }
0xd0: {  	[tilespmem:$0x6470] =	vst v1  }
0xd1: {  	_ =	swait.ge [sflag:s25], $0x4000  }
0xd2: {  	s13 =	sshrl.u32 s9, $0x3;
	[sflag:s25] =	ssyncset.done $0x0  }
0xd3: {  	s12 =	sor.u32 $0x1C07, s14;
	s16 =	rddreg [dreg:$0xc];
	[sflag:s25] =	ssyncadd.s32 $0xFFFFC000  }
0xd4: {  	[hbm:s16], [sflag:s12] =	dma.local [spmem:s13], $0x800  }
0xd5: {  	[tilespmem:s21], [sflag:$0x1] =	stream.indirect.gather [hbm4b:s1+s19], $0x80, s20, s19, $0xb8;
	[tilespmem:$0x1E500] =	vst v63  }
0xd6: {  	_ =	swait.ge [sflag:s26], $0x4000  }
0xd7: {  	[sflag:s26] =	ssyncset.done $0x0  }
0xd8: {  	[sflag:s26] =	ssyncadd.s32 $0xFFFFC000  }
0xd9: {  	[spmem:s11] =	stream.linear.scatter [tilespmem:s23], [sflag:$0x4], $0x4000, $0x38;
	[tilespmem:$0x1E500] =	vst v63  }
0xda: {  	v1 =	vld [tilespmem:$0x280]  }
0xdb: {  	v2 =	vld [tilespmem:$0x290]  }
0xdc: {  	v3 =	vld [tilespmem:$0x2A0]  }
0xdd: {  	v55 =	vld [tilespmem:$0x2B0]  }
0xde: {  	v56 =	vld [tilespmem:$0x2C0]  }
0xdf: {  	v57 =	vld [tilespmem:$0x2D0]  }
0xe0: {  	v58 =	vld [tilespmem:$0x2E0]  }
0xe1: {  	v59 =	vld [tilespmem:$0x2F0]  }
0xe2: {  	v1 =	vmul.f32 v1, v0  }
0xe3: {  	v2 =	vmul.f32 v2, v0;
	v3 =	vmul.f32 v3, v0  }
0xe4: {  	v4 =	vmul.f32 v55, v0;
	v5 =	vmul.f32 v56, v0  }
0xe5: {  	v6 =	vmul.f32 v57, v0;
	v7 =	vmul.f32 v58, v0  }
0xe6: {  	v8 =	vmul.f32 v59, v0;
	v1 =	vtrunc.f32 v1  }
0xe7: {  	v2 =	vtrunc.f32 v2;
	v3 =	vtrunc.f32 v3  }
0xe8: {  	v4 =	vtrunc.f32 v4;
	v5 =	vtrunc.f32 v5  }
0xe9: {  	v6 =	vtrunc.f32 v6;
	v61 =	vtrunc.f32 v7  }
0xea: {  	v62 =	vtrunc.f32 v8;
	v1 =	vcvt.f32.s32 v1  }
0xeb: {  	v2 =	vcvt.f32.s32 v2;
	v3 =	vcvt.f32.s32 v3  }
0xec: {  	v4 =	vcvt.f32.s32 v4;
	v5 =	vcvt.f32.s32 v5  }
0xed: {  	v60 =	vcvt.f32.s32 v6;
	v63 =	vcvt.f32.s32 v62;
	vm10 =	vgt.s32 v1, $0x0  }
0xee: {  	vm11 =	vgt.s32 v2, $0x0;
	vm1 =	vgt.s32 v3, $0x0;
	v1 =	vnsel vm10, $0x0, v1  }
0xef: {  	vm2 =	vgt.s32 v4, $0x0;
	v2 =	vnsel vm11, $0x0, v2;
	v1 =	vmin.u32 v1, $0xC34F  }
0xf0: {  	vm12 =	vgt.s32 v5, $0x0;
	v3 =	vnsel vm1, $0x0, v3;
	v2 =	vmin.u32 v2, $0xC34F;
	[tilespmem:$0xA480] =	vst v1  }
0xf1: {  	v4 =	vnsel vm2, $0x0, v4;
	v3 =	vmin.u32 v3, $0xC34F;
	[tilespmem:$0xA490] =	vst v2;
	v2 =	vcvt.f32.s32 v61  }
0xf2: {  	vm13 =	vgt.s32 v60, $0x0;
	v1 =	vmin.u32 v4, $0xC34F;
	[tilespmem:$0xA4A0] =	vst v3;
	v3 =	vnsel vm12, $0x0, v5  }
0xf3: {  	[tilespmem:$0xA4B0] =	vst v1;
	v1 =	vmin.u32 v3, $0xC34F;
	v3 =	vnsel vm13, $0x0, v60;
	vm14 =	vgt.s32 v2, $0x0  }
0xf4: {  	vm15 =	vgt.s32 v63, $0x0;
	[tilespmem:$0xA4C0] =	vst v1;
	v1 =	vmin.u32 v3, $0xC34F;
	v2 =	vnsel vm14, $0x0, v2  }
0xf5: {  	[tilespmem:$0xA4D0] =	vst v1;
	v1 =	vnsel vm15, $0x0, v63;
	v2 =	vmin.u32 v2, $0xC34F  }
0xf6: {  	v1 =	vmin.u32 v1, $0xC34F;
	[tilespmem:$0xA4E0] =	vst v2  }
0xf7: {  	[tilespmem:$0xA4F0] =	vst v1  }
0xf8: {  	_ =	swait.ge [sflag:s28], $0x4000  }
0xf9: {  	s14 =	sor.u32 $0x1C08, s14;
	[sflag:s28] =	ssyncset.done $0x0  }
0xfa: {  	s15 =	sshrl.u32 s11, $0x3;
	s17 =	rddreg [dreg:$0xd];
	[sflag:s28] =	ssyncadd.s32 $0xFFFFC000  }
0xfb: {  	[hbm:s17], [sflag:s14] =	dma.local [spmem:s15], $0x800  }
0xfc: {  	s16 =	simm.s32 $0x4F0;
	s17 =	simm.s32 $0x0  }
0xfd: {  	[tilespmem:s23], [sflag:$0x3] =	stream.indirect.gather [hbm4b:s1+s19], $0x80, s22, s19, $0xb8;
	[tilespmem:$0x1E500] =	vst v63  }
.LBB2_2:
0xfe: {  	_ =	swait.ge [sflag:s24], $0x4000  }
0xff: {  	[sflag:s24] =	ssyncset.done $0x0  }
0x100: {  	[sflag:s24] =	ssyncadd.s32 $0xFFFFC000  }
0x101: {  	_ =	swait.ge [sflag:s29], $0x800  }
0x102: {  	[sflag:s29] =	ssyncset.done $0x0  }
0x103: {  	[sflag:s29] =	ssyncadd.s32 $0xFFFFF800  }
0x104: {  	[spmem:s5] =	stream.linear.scatter [tilespmem:s21], [sflag:$0x2], $0x4000, $0x38;
	[tilespmem:$0x1E500] =	vst v63  }
0x105: {  	v1 =	vld [tilespmem:s16+$0xFFFFFE10];
	_ =	sdelay $0x4  }
0x106: {  	v1 =	vmul.f32 v1, v0;
	_ =	sdelay $0x1  }
0x107: {  	v1 =	vtrunc.f32 v1  }
0x108: {  	v1 =	vcvt.f32.s32 v1;
	_ =	sdelay $0x1  }
0x109: {  	vm0 =	vgt.s32 v1, $0x0  }
0x10a: {  	v1 =	vnsel vm0, $0x0, v1  }
0x10b: {  	v1 =	vmin.u32 v1, $0xC34F  }
0x10c: {  	[tilespmem:$0x6400] =	vst v1  }
0x10d: {  	v1 =	vld [tilespmem:s16+$0xFFFFFE20];
	_ =	sdelay $0x4  }
0x10e: {  	v1 =	vmul.f32 v1, v0;
	_ =	sdelay $0x1  }
0x10f: {  	v1 =	vtrunc.f32 v1  }
0x110: {  	v1 =	vcvt.f32.s32 v1;
	_ =	sdelay $0x1  }
0x111: {  	vm9 =	vgt.s32 v1, $0x0  }
0x112: {  	v1 =	vnsel vm9, $0x0, v1  }
0x113: {  	v1 =	vmin.u32 v1, $0xC34F  }
0x114: {  	[tilespmem:$0x6410] =	vst v1  }
0x115: {  	v1 =	vld [tilespmem:s16+$0xFFFFFE30];
	_ =	sdelay $0x4  }
0x116: {  	v1 =	vmul.f32 v1, v0;
	_ =	sdelay $0x1  }
0x117: {  	v1 =	vtrunc.f32 v1  }
0x118: {  	v1 =	vcvt.f32.s32 v1;
	_ =	sdelay $0x1  }
0x119: {  	vm10 =	vgt.s32 v1, $0x0  }
0x11a: {  	v1 =	vnsel vm10, $0x0, v1  }
0x11b: {  	v1 =	vmin.u32 v1, $0xC34F  }
0x11c: {  	[tilespmem:$0x6420] =	vst v1  }
0x11d: {  	v1 =	vld [tilespmem:s16+$0xFFFFFE40];
	_ =	sdelay $0x4  }
0x11e: {  	v1 =	vmul.f32 v1, v0;
	_ =	sdelay $0x1  }
0x11f: {  	v1 =	vtrunc.f32 v1  }
0x120: {  	v1 =	vcvt.f32.s32 v1;
	_ =	sdelay $0x1  }
0x121: {  	vm11 =	vgt.s32 v1, $0x0  }
0x122: {  	v1 =	vnsel vm11, $0x0, v1  }
0x123: {  	v1 =	vmin.u32 v1, $0xC34F  }
0x124: {  	[tilespmem:$0x6430] =	vst v1  }
0x125: {  	v1 =	vld [tilespmem:s16+$0xFFFFFE50];
	_ =	sdelay $0x4  }
0x126: {  	v1 =	vmul.f32 v1, v0;
	_ =	sdelay $0x1  }
0x127: {  	v1 =	vtrunc.f32 v1  }
0x128: {  	v1 =	vcvt.f32.s32 v1;
	_ =	sdelay $0x1  }
0x129: {  	vm12 =	vgt.s32 v1, $0x0  }
0x12a: {  	v1 =	vnsel vm12, $0x0, v1  }
0x12b: {  	v1 =	vmin.u32 v1, $0xC34F  }
0x12c: {  	[tilespmem:$0x6440] =	vst v1  }
0x12d: {  	v1 =	vld [tilespmem:s16+$0xFFFFFE60];
	_ =	sdelay $0x4  }
0x12e: {  	v1 =	vmul.f32 v1, v0;
	_ =	sdelay $0x1  }
0x12f: {  	v1 =	vtrunc.f32 v1  }
0x130: {  	v1 =	vcvt.f32.s32 v1;
	_ =	sdelay $0x1  }
0x131: {  	vm13 =	vgt.s32 v1, $0x0  }
0x132: {  	v1 =	vnsel vm13, $0x0, v1  }
0x133: {  	v1 =	vmin.u32 v1, $0xC34F  }
0x134: {  	[tilespmem:$0x6450] =	vst v1  }
0x135: {  	v1 =	vld [tilespmem:s16+$0xFFFFFE70];
	_ =	sdelay $0x4  }
0x136: {  	v1 =	vmul.f32 v1, v0;
	_ =	sdelay $0x1  }
0x137: {  	v1 =	vtrunc.f32 v1  }
0x138: {  	v1 =	vcvt.f32.s32 v1;
	_ =	sdelay $0x1  }
0x139: {  	vm14 =	vgt.s32 v1, $0x0  }
0x13a: {  	v1 =	vnsel vm14, $0x0, v1  }
0x13b: {  	v1 =	vmin.u32 v1, $0xC34F  }
0x13c: {  	[tilespmem:$0x6460] =	vst v1  }
0x13d: {  	v1 =	vld [tilespmem:s16+$0xFFFFFE80];
	_ =	sdelay $0x4  }
0x13e: {  	v1 =	vmul.f32 v1, v0;
	_ =	sdelay $0x1  }
0x13f: {  	v1 =	vtrunc.f32 v1  }
0x140: {  	v1 =	vcvt.f32.s32 v1;
	_ =	sdelay $0x1  }
0x141: {  	vm15 =	vgt.s32 v1, $0x0  }
0x142: {  	v1 =	vnsel vm15, $0x0, v1  }
0x143: {  	v1 =	vmin.u32 v1, $0xC34F  }
0x144: {  	[tilespmem:$0x6470] =	vst v1  }
0x145: {  	_ =	swait.ge [sflag:s25], $0x4000  }
0x146: {  	s6 =	rddreg [dreg:$0x6];
	[sflag:s25] =	ssyncset.done $0x0  }
0x147: {  	[sflag:s25] =	ssyncadd.s32 $0xFFFFC000;
	s6 =	sadd.s32 s17, s6  }
0x148: {  	[hbm:s6], [sflag:s4] =	dma.local [spmem:s10], $0x800  }
0x149: {  	[tilespmem:s21], [sflag:$0x1] =	stream.indirect.gather [hbm4b:s1+s19], $0x80, s20, s19, $0xb8;
	[tilespmem:$0x1E500] =	vst v63  }
0x14a: {  	_ =	swait.ge [sflag:s26], $0x4000  }
0x14b: {  	[sflag:s26] =	ssyncset.done $0x0  }
0x14c: {  	[sflag:s26] =	ssyncadd.s32 $0xFFFFC000  }
0x14d: {  	_ =	swait.ge [sflag:s30], $0x800  }
0x14e: {  	[sflag:s30] =	ssyncset.done $0x0  }
0x14f: {  	[sflag:s30] =	ssyncadd.s32 $0xFFFFF800  }
0x150: {  	[spmem:s7] =	stream.linear.scatter [tilespmem:s23], [sflag:$0x4], $0x4000, $0x38;
	[tilespmem:$0x1E500] =	vst v63  }
0x151: {  	v1 =	vld [tilespmem:s16+$0xFFFFFE90];
	_ =	sdelay $0x4  }
0x152: {  	v1 =	vmul.f32 v1, v0;
	_ =	sdelay $0x1  }
0x153: {  	v1 =	vtrunc.f32 v1  }
0x154: {  	v1 =	vcvt.f32.s32 v1;
	_ =	sdelay $0x1  }
0x155: {  	vm4 =	vgt.s32 v1, $0x0  }
0x156: {  	v1 =	vnsel vm4, $0x0, v1  }
0x157: {  	v1 =	vmin.u32 v1, $0xC34F  }
0x158: {  	[tilespmem:$0xA480] =	vst v1  }
0x159: {  	v1 =	vld [tilespmem:s16+$0xFFFFFEA0];
	_ =	sdelay $0x4  }
0x15a: {  	v1 =	vmul.f32 v1, v0;
	_ =	sdelay $0x1  }
0x15b: {  	v1 =	vtrunc.f32 v1  }
0x15c: {  	v1 =	vcvt.f32.s32 v1;
	_ =	sdelay $0x1  }
0x15d: {  	vm5 =	vgt.s32 v1, $0x0  }
0x15e: {  	v1 =	vnsel vm5, $0x0, v1  }
0x15f: {  	v1 =	vmin.u32 v1, $0xC34F  }
0x160: {  	[tilespmem:$0xA490] =	vst v1  }
0x161: {  	v1 =	vld [tilespmem:s16+$0xFFFFFEB0];
	_ =	sdelay $0x4  }
0x162: {  	v1 =	vmul.f32 v1, v0;
	_ =	sdelay $0x1  }
0x163: {  	v1 =	vtrunc.f32 v1  }
0x164: {  	v1 =	vcvt.f32.s32 v1;
	_ =	sdelay $0x1  }
0x165: {  	vm6 =	vgt.s32 v1, $0x0  }
0x166: {  	v1 =	vnsel vm6, $0x0, v1  }
0x167: {  	v1 =	vmin.u32 v1, $0xC34F  }
0x168: {  	[tilespmem:$0xA4A0] =	vst v1  }
0x169: {  	v1 =	vld [tilespmem:s16+$0xFFFFFEC0];
	_ =	sdelay $0x4  }
0x16a: {  	v1 =	vmul.f32 v1, v0;
	_ =	sdelay $0x1  }
0x16b: {  	v1 =	vtrunc.f32 v1  }
0x16c: {  	v1 =	vcvt.f32.s32 v1;
	_ =	sdelay $0x1  }
0x16d: {  	vm7 =	vgt.s32 v1, $0x0  }
0x16e: {  	v1 =	vnsel vm7, $0x0, v1  }
0x16f: {  	v1 =	vmin.u32 v1, $0xC34F  }
0x170: {  	[tilespmem:$0xA4B0] =	vst v1  }
0x171: {  	v1 =	vld [tilespmem:s16+$0xFFFFFED0];
	_ =	sdelay $0x4  }
0x172: {  	v1 =	vmul.f32 v1, v0;
	_ =	sdelay $0x1  }
0x173: {  	v1 =	vtrunc.f32 v1  }
0x174: {  	v1 =	vcvt.f32.s32 v1;
	_ =	sdelay $0x1  }
0x175: {  	vm8 =	vgt.s32 v1, $0x0  }
0x176: {  	v1 =	vnsel vm8, $0x0, v1  }
0x177: {  	v1 =	vmin.u32 v1, $0xC34F  }
0x178: {  	[tilespmem:$0xA4C0] =	vst v1  }
0x179: {  	v1 =	vld [tilespmem:s16+$0xFFFFFEE0];
	_ =	sdelay $0x4  }
0x17a: {  	v1 =	vmul.f32 v1, v0;
	_ =	sdelay $0x1  }
0x17b: {  	v1 =	vtrunc.f32 v1  }
0x17c: {  	v1 =	vcvt.f32.s32 v1;
	_ =	sdelay $0x1  }
0x17d: {  	vm9 =	vgt.s32 v1, $0x0  }
0x17e: {  	v1 =	vnsel vm9, $0x0, v1  }
0x17f: {  	v1 =	vmin.u32 v1, $0xC34F  }
0x180: {  	[tilespmem:$0xA4D0] =	vst v1  }
0x181: {  	v1 =	vld [tilespmem:s16+$0xFFFFFEF0];
	_ =	sdelay $0x4  }
0x182: {  	v1 =	vmul.f32 v1, v0;
	_ =	sdelay $0x1  }
0x183: {  	v1 =	vtrunc.f32 v1  }
0x184: {  	v1 =	vcvt.f32.s32 v1;
	_ =	sdelay $0x1  }
0x185: {  	vm10 =	vgt.s32 v1, $0x0  }
0x186: {  	v1 =	vnsel vm10, $0x0, v1  }
0x187: {  	v1 =	vmin.u32 v1, $0xC34F  }
0x188: {  	[tilespmem:$0xA4E0] =	vst v1  }
0x189: {  	v1 =	vld [tilespmem:s16+$0xFFFFFF00];
	_ =	sdelay $0x4  }
0x18a: {  	v1 =	vmul.f32 v1, v0;
	_ =	sdelay $0x1  }
0x18b: {  	v1 =	vtrunc.f32 v1  }
0x18c: {  	v1 =	vcvt.f32.s32 v1;
	_ =	sdelay $0x1  }
0x18d: {  	vm11 =	vgt.s32 v1, $0x0  }
0x18e: {  	v1 =	vnsel vm11, $0x0, v1  }
0x18f: {  	v1 =	vmin.u32 v1, $0xC34F  }
0x190: {  	[tilespmem:$0xA4F0] =	vst v1  }
0x191: {  	_ =	swait.ge [sflag:s28], $0x4000  }
0x192: {  	s6 =	rddreg [dreg:$0x5];
	[sflag:s28] =	ssyncset.done $0x0  }
0x193: {  	[sflag:s28] =	ssyncadd.s32 $0xFFFFC000;
	s6 =	sadd.s32 s17, s6  }
0x194: {  	[hbm:s6], [sflag:s0] =	dma.local [spmem:s8], $0x800  }
0x195: {  	[tilespmem:s23], [sflag:$0x3] =	stream.indirect.gather [hbm4b:s1+s19], $0x80, s22, s19, $0xb8;
	[tilespmem:$0x1E500] =	vst v63  }
0x196: {  	_ =	swait.ge [sflag:s24], $0x4000  }
0x197: {  	[sflag:s24] =	ssyncset.done $0x0  }
0x198: {  	[sflag:s24] =	ssyncadd.s32 $0xFFFFC000  }
0x199: {  	_ =	swait.ge [sflag:s31], $0x800  }
0x19a: {  	[sflag:s31] =	ssyncset.done $0x0  }
0x19b: {  	[sflag:s31] =	ssyncadd.s32 $0xFFFFF800  }
0x19c: {  	[spmem:s9] =	stream.linear.scatter [tilespmem:s21], [sflag:$0x2], $0x4000, $0x38;
	[tilespmem:$0x1E500] =	vst v63  }
0x19d: {  	v1 =	vld [tilespmem:s16+$0xFFFFFF10];
	_ =	sdelay $0x4  }
0x19e: {  	v1 =	vmul.f32 v1, v0;
	_ =	sdelay $0x1  }
0x19f: {  	v1 =	vtrunc.f32 v1  }
0x1a0: {  	v1 =	vcvt.f32.s32 v1;
	_ =	sdelay $0x1  }
0x1a1: {  	vm12 =	vgt.s32 v1, $0x0  }
0x1a2: {  	v1 =	vnsel vm12, $0x0, v1  }
0x1a3: {  	v1 =	vmin.u32 v1, $0xC34F  }
0x1a4: {  	[tilespmem:$0x6400] =	vst v1  }
0x1a5: {  	v1 =	vld [tilespmem:s16+$0xFFFFFF20];
	_ =	sdelay $0x4  }
0x1a6: {  	v1 =	vmul.f32 v1, v0;
	_ =	sdelay $0x1  }
0x1a7: {  	v1 =	vtrunc.f32 v1  }
0x1a8: {  	v1 =	vcvt.f32.s32 v1;
	_ =	sdelay $0x1  }
0x1a9: {  	vm13 =	vgt.s32 v1, $0x0  }
0x1aa: {  	v1 =	vnsel vm13, $0x0, v1  }
0x1ab: {  	v1 =	vmin.u32 v1, $0xC34F  }
0x1ac: {  	[tilespmem:$0x6410] =	vst v1  }
0x1ad: {  	v1 =	vld [tilespmem:s16+$0xFFFFFF30];
	_ =	sdelay $0x4  }
0x1ae: {  	v1 =	vmul.f32 v1, v0;
	_ =	sdelay $0x1  }
0x1af: {  	v1 =	vtrunc.f32 v1  }
0x1b0: {  	v1 =	vcvt.f32.s32 v1;
	_ =	sdelay $0x1  }
0x1b1: {  	vm14 =	vgt.s32 v1, $0x0  }
0x1b2: {  	v1 =	vnsel vm14, $0x0, v1  }
0x1b3: {  	v1 =	vmin.u32 v1, $0xC34F  }
0x1b4: {  	[tilespmem:$0x6420] =	vst v1  }
0x1b5: {  	v1 =	vld [tilespmem:s16+$0xFFFFFF40];
	_ =	sdelay $0x4  }
0x1b6: {  	v1 =	vmul.f32 v1, v0;
	_ =	sdelay $0x1  }
0x1b7: {  	v1 =	vtrunc.f32 v1  }
0x1b8: {  	v1 =	vcvt.f32.s32 v1;
	_ =	sdelay $0x1  }
0x1b9: {  	vm15 =	vgt.s32 v1, $0x0  }
0x1ba: {  	v1 =	vnsel vm15, $0x0, v1  }
0x1bb: {  	v1 =	vmin.u32 v1, $0xC34F  }
0x1bc: {  	[tilespmem:$0x6430] =	vst v1  }
0x1bd: {  	v1 =	vld [tilespmem:s16+$0xFFFFFF50];
	_ =	sdelay $0x4  }
0x1be: {  	v1 =	vmul.f32 v1, v0;
	_ =	sdelay $0x1  }
0x1bf: {  	v1 =	vtrunc.f32 v1  }
0x1c0: {  	v1 =	vcvt.f32.s32 v1;
	_ =	sdelay $0x1  }
0x1c1: {  	vm4 =	vgt.s32 v1, $0x0  }
0x1c2: {  	v1 =	vnsel vm4, $0x0, v1  }
0x1c3: {  	v1 =	vmin.u32 v1, $0xC34F  }
0x1c4: {  	[tilespmem:$0x6440] =	vst v1  }
0x1c5: {  	v1 =	vld [tilespmem:s16+$0xFFFFFF60];
	_ =	sdelay $0x4  }
0x1c6: {  	v1 =	vmul.f32 v1, v0;
	_ =	sdelay $0x1  }
0x1c7: {  	v1 =	vtrunc.f32 v1  }
0x1c8: {  	v1 =	vcvt.f32.s32 v1;
	_ =	sdelay $0x1  }
0x1c9: {  	vm5 =	vgt.s32 v1, $0x0  }
0x1ca: {  	v1 =	vnsel vm5, $0x0, v1  }
0x1cb: {  	v1 =	vmin.u32 v1, $0xC34F  }
0x1cc: {  	[tilespmem:$0x6450] =	vst v1  }
0x1cd: {  	v1 =	vld [tilespmem:s16+$0xFFFFFF70];
	_ =	sdelay $0x4  }
0x1ce: {  	v1 =	vmul.f32 v1, v0;
	_ =	sdelay $0x1  }
0x1cf: {  	v1 =	vtrunc.f32 v1  }
0x1d0: {  	v1 =	vcvt.f32.s32 v1;
	_ =	sdelay $0x1  }
0x1d1: {  	vm6 =	vgt.s32 v1, $0x0  }
0x1d2: {  	v1 =	vnsel vm6, $0x0, v1  }
0x1d3: {  	v1 =	vmin.u32 v1, $0xC34F  }
0x1d4: {  	[tilespmem:$0x6460] =	vst v1  }
0x1d5: {  	v1 =	vld [tilespmem:s16+$0xFFFFFF80];
	_ =	sdelay $0x4  }
0x1d6: {  	v1 =	vmul.f32 v1, v0;
	_ =	sdelay $0x1  }
0x1d7: {  	v1 =	vtrunc.f32 v1  }
0x1d8: {  	v1 =	vcvt.f32.s32 v1;
	_ =	sdelay $0x1  }
0x1d9: {  	vm7 =	vgt.s32 v1, $0x0  }
0x1da: {  	v1 =	vnsel vm7, $0x0, v1  }
0x1db: {  	v1 =	vmin.u32 v1, $0xC34F  }
0x1dc: {  	[tilespmem:$0x6470] =	vst v1  }
0x1dd: {  	_ =	swait.ge [sflag:s25], $0x4000  }
0x1de: {  	s6 =	rddreg [dreg:$0x8];
	[sflag:s25] =	ssyncset.done $0x0  }
0x1df: {  	[sflag:s25] =	ssyncadd.s32 $0xFFFFC000;
	s6 =	sadd.s32 s17, s6  }
0x1e0: {  	[hbm:s6], [sflag:s12] =	dma.local [spmem:s13], $0x800  }
0x1e1: {  	[tilespmem:s21], [sflag:$0x1] =	stream.indirect.gather [hbm4b:s1+s19], $0x80, s20, s19, $0xb8;
	[tilespmem:$0x1E500] =	vst v63  }
0x1e2: {  	_ =	swait.ge [sflag:s26], $0x4000  }
0x1e3: {  	[sflag:s26] =	ssyncset.done $0x0  }
0x1e4: {  	[sflag:s26] =	ssyncadd.s32 $0xFFFFC000  }
0x1e5: {  	_ =	swait.ge [sflag:s2], $0x800  }
0x1e6: {  	[sflag:s2] =	ssyncset.done $0x0  }
0x1e7: {  	[sflag:s2] =	ssyncadd.s32 $0xFFFFF800  }
0x1e8: {  	[spmem:s11] =	stream.linear.scatter [tilespmem:s23], [sflag:$0x4], $0x4000, $0x38;
	[tilespmem:$0x1E500] =	vst v63  }
0x1e9: {  	v1 =	vld [tilespmem:s16+$0xFFFFFF90];
	_ =	sdelay $0x4  }
0x1ea: {  	v1 =	vmul.f32 v1, v0;
	_ =	sdelay $0x1  }
0x1eb: {  	v1 =	vtrunc.f32 v1  }
0x1ec: {  	v1 =	vcvt.f32.s32 v1;
	_ =	sdelay $0x1  }
0x1ed: {  	vm8 =	vgt.s32 v1, $0x0  }
0x1ee: {  	v1 =	vnsel vm8, $0x0, v1  }
0x1ef: {  	v1 =	vmin.u32 v1, $0xC34F  }
0x1f0: {  	[tilespmem:$0xA480] =	vst v1  }
0x1f1: {  	v1 =	vld [tilespmem:s16+$0xFFFFFFA0];
	_ =	sdelay $0x4  }
0x1f2: {  	v1 =	vmul.f32 v1, v0;
	_ =	sdelay $0x1  }
0x1f3: {  	v1 =	vtrunc.f32 v1  }
0x1f4: {  	v1 =	vcvt.f32.s32 v1;
	_ =	sdelay $0x1  }
0x1f5: {  	vm9 =	vgt.s32 v1, $0x0  }
0x1f6: {  	v1 =	vnsel vm9, $0x0, v1  }
0x1f7: {  	v1 =	vmin.u32 v1, $0xC34F  }
0x1f8: {  	[tilespmem:$0xA490] =	vst v1  }
0x1f9: {  	v1 =	vld [tilespmem:s16+$0xFFFFFFB0];
	_ =	sdelay $0x4  }
0x1fa: {  	v1 =	vmul.f32 v1, v0;
	_ =	sdelay $0x1  }
0x1fb: {  	v1 =	vtrunc.f32 v1  }
0x1fc: {  	v1 =	vcvt.f32.s32 v1;
	_ =	sdelay $0x1  }
0x1fd: {  	vm10 =	vgt.s32 v1, $0x0  }
0x1fe: {  	v1 =	vnsel vm10, $0x0, v1  }
0x1ff: {  	v1 =	vmin.u32 v1, $0xC34F  }
0x200: {  	[tilespmem:$0xA4A0] =	vst v1  }
0x201: {  	v1 =	vld [tilespmem:s16+$0xFFFFFFC0];
	_ =	sdelay $0x4  }
0x202: {  	v1 =	vmul.f32 v1, v0;
	_ =	sdelay $0x1  }
0x203: {  	v1 =	vtrunc.f32 v1  }
0x204: {  	v1 =	vcvt.f32.s32 v1;
	_ =	sdelay $0x1  }
0x205: {  	vm11 =	vgt.s32 v1, $0x0  }
0x206: {  	v1 =	vnsel vm11, $0x0, v1  }
0x207: {  	v1 =	vmin.u32 v1, $0xC34F  }
0x208: {  	[tilespmem:$0xA4B0] =	vst v1  }
0x209: {  	v1 =	vld [tilespmem:s16+$0xFFFFFFD0];
	_ =	sdelay $0x4  }
0x20a: {  	v1 =	vmul.f32 v1, v0;
	_ =	sdelay $0x1  }
0x20b: {  	v1 =	vtrunc.f32 v1  }
0x20c: {  	v1 =	vcvt.f32.s32 v1;
	_ =	sdelay $0x1  }
0x20d: {  	vm12 =	vgt.s32 v1, $0x0  }
0x20e: {  	v1 =	vnsel vm12, $0x0, v1  }
0x20f: {  	v1 =	vmin.u32 v1, $0xC34F  }
0x210: {  	[tilespmem:$0xA4C0] =	vst v1  }
0x211: {  	v1 =	vld [tilespmem:s16+$0xFFFFFFE0];
	_ =	sdelay $0x4  }
0x212: {  	v1 =	vmul.f32 v1, v0;
	_ =	sdelay $0x1  }
0x213: {  	v1 =	vtrunc.f32 v1  }
0x214: {  	v1 =	vcvt.f32.s32 v1;
	_ =	sdelay $0x1  }
0x215: {  	vm13 =	vgt.s32 v1, $0x0  }
0x216: {  	v1 =	vnsel vm13, $0x0, v1  }
0x217: {  	v1 =	vmin.u32 v1, $0xC34F  }
0x218: {  	[tilespmem:$0xA4D0] =	vst v1  }
0x219: {  	v1 =	vld [tilespmem:s16+$0xFFFFFFF0];
	_ =	sdelay $0x4  }
0x21a: {  	v1 =	vmul.f32 v1, v0;
	_ =	sdelay $0x1  }
0x21b: {  	v1 =	vtrunc.f32 v1  }
0x21c: {  	v1 =	vcvt.f32.s32 v1;
	_ =	sdelay $0x1  }
0x21d: {  	vm14 =	vgt.s32 v1, $0x0  }
0x21e: {  	v1 =	vnsel vm14, $0x0, v1  }
0x21f: {  	v1 =	vmin.u32 v1, $0xC34F  }
0x220: {  	[tilespmem:$0xA4E0] =	vst v1  }
0x221: {  	v1 =	vld [tilespmem:s16+$0x0];
	_ =	sdelay $0x4  }
0x222: {  	v1 =	vmul.f32 v1, v0;
	_ =	sdelay $0x1  }
0x223: {  	v1 =	vtrunc.f32 v1  }
0x224: {  	v1 =	vcvt.f32.s32 v1;
	_ =	sdelay $0x1  }
0x225: {  	vm15 =	vgt.s32 v1, $0x0  }
0x226: {  	v1 =	vnsel vm15, $0x0, v1  }
0x227: {  	v1 =	vmin.u32 v1, $0xC34F  }
0x228: {  	p0 =	sne.s32 s17, $0x5E000;
	[tilespmem:$0xA4F0] =	vst v1  }
.Ltmp0:
0x229: {  	_ =	swait.ge [sflag:s28], $0x4000;
	(pc) =	sbr.rel @p0 .LBB2_2-.Ltmp0, $4  }
0x22a: {  	s16 =	sadd.s32 $0x200, s16;
	s6 =	rddreg [dreg:$0x7];
	[sflag:s28] =	ssyncset.done $0x0  }
0x22b: {  	[sflag:s28] =	ssyncadd.s32 $0xFFFFC000;
	s6 =	sadd.s32 s17, s6;
	s17 =	sadd.s32 $0x2000, s17  }
0x22c: {  	[hbm:s6], [sflag:s14] =	dma.local [spmem:s15], $0x800  }
0x22d: {  	[tilespmem:s23], [sflag:$0x3] =	stream.indirect.gather [hbm4b:s1+s19], $0x80, s22, s19, $0xb8;
	[tilespmem:$0x1E500] =	vst v63  }
0x22e: {  	_ =	swait.ge [sflag:s24], $0x4000  }
0x22f: {  	[sflag:s24] =	ssyncset.done $0x0  }
0x230: {  	[sflag:s24] =	ssyncadd.s32 $0xFFFFC000  }
0x231: {  	_ =	swait.ge [sflag:s29], $0x800  }
0x232: {  	[sflag:s29] =	ssyncset.done $0x0  }
0x233: {  	[sflag:s29] =	ssyncadd.s32 $0xFFFFF800  }
0x234: {  	[spmem:s5] =	stream.linear.scatter [tilespmem:s21], [sflag:$0x2], $0x4000, $0x38;
	[tilespmem:$0x1E500] =	vst v63  }
0x235: {  	v1 =	vld [tilespmem:$0x6300]  }
0x236: {  	v2 =	vld [tilespmem:$0x6310]  }
0x237: {  	v3 =	vld [tilespmem:$0x6320]  }
0x238: {  	v4 =	vld [tilespmem:$0x6330]  }
0x239: {  	v5 =	vld [tilespmem:$0x6340]  }
0x23a: {  	v6 =	vld [tilespmem:$0x6350]  }
0x23b: {  	v7 =	vld [tilespmem:$0x6360]  }
0x23c: {  	v8 =	vld [tilespmem:$0x6370]  }
0x23d: {  	v1 =	vmul.f32 v1, v0  }
0x23e: {  	v2 =	vmul.f32 v2, v0;
	v3 =	vmul.f32 v3, v0  }
0x23f: {  	v4 =	vmul.f32 v4, v0;
	v5 =	vmul.f32 v5, v0  }
0x240: {  	v6 =	vmul.f32 v6, v0;
	v7 =	vmul.f32 v7, v0  }
0x241: {  	v8 =	vmul.f32 v8, v0;
	v1 =	vtrunc.f32 v1  }
0x242: {  	v2 =	vtrunc.f32 v2;
	v3 =	vtrunc.f32 v3  }
0x243: {  	v4 =	vtrunc.f32 v4;
	v5 =	vtrunc.f32 v5  }
0x244: {  	v6 =	vtrunc.f32 v6;
	v52 =	vtrunc.f32 v7  }
0x245: {  	v53 =	vtrunc.f32 v8;
	v1 =	vcvt.f32.s32 v1  }
0x246: {  	v2 =	vcvt.f32.s32 v2;
	v3 =	vcvt.f32.s32 v3  }
0x247: {  	v4 =	vcvt.f32.s32 v4;
	v5 =	vcvt.f32.s32 v5  }
0x248: {  	v51 =	vcvt.f32.s32 v6;
	v54 =	vcvt.f32.s32 v53;
	vm0 =	vgt.s32 v1, $0x0  }
0x249: {  	vm15 =	vgt.s32 v2, $0x0;
	vm4 =	vgt.s32 v3, $0x0;
	v1 =	vnsel vm0, $0x0, v1  }
0x24a: {  	vm5 =	vgt.s32 v4, $0x0;
	v2 =	vnsel vm15, $0x0, v2;
	v1 =	vmin.u32 v1, $0xC34F  }
0x24b: {  	vm6 =	vgt.s32 v5, $0x0;
	v3 =	vnsel vm4, $0x0, v3;
	v2 =	vmin.u32 v2, $0xC34F;
	[tilespmem:$0x6400] =	vst v1  }
0x24c: {  	v4 =	vnsel vm5, $0x0, v4;
	v3 =	vmin.u32 v3, $0xC34F;
	[tilespmem:$0x6410] =	vst v2;
	v2 =	vcvt.f32.s32 v52  }
0x24d: {  	vm7 =	vgt.s32 v51, $0x0;
	v1 =	vmin.u32 v4, $0xC34F;
	[tilespmem:$0x6420] =	vst v3;
	v3 =	vnsel vm6, $0x0, v5  }
0x24e: {  	[tilespmem:$0x6430] =	vst v1;
	v1 =	vmin.u32 v3, $0xC34F;
	v3 =	vnsel vm7, $0x0, v51;
	vm8 =	vgt.s32 v2, $0x0  }
0x24f: {  	vm9 =	vgt.s32 v54, $0x0;
	[tilespmem:$0x6440] =	vst v1;
	v1 =	vmin.u32 v3, $0xC34F;
	v2 =	vnsel vm8, $0x0, v2  }
0x250: {  	[tilespmem:$0x6450] =	vst v1;
	v1 =	vmin.u32 v2, $0xC34F;
	v2 =	vnsel vm9, $0x0, v54  }
0x251: {  	[tilespmem:$0x6460] =	vst v1;
	v1 =	vmin.u32 v2, $0xC34F  }
0x252: {  	[tilespmem:$0x6470] =	vst v1  }
0x253: {  	_ =	swait.ge [sflag:s25], $0x4000  }
0x254: {  	[sflag:s25] =	ssyncset.done $0x0  }
0x255: {  	s6 =	rddreg [dreg:$0xe];
	[sflag:s25] =	ssyncadd.s32 $0xFFFFC000  }
0x256: {  	[hbm:s6], [sflag:s4] =	dma.local [spmem:s10], $0x800  }
0x257: {  	[tilespmem:s21], [sflag:$0x1] =	stream.indirect.gather [hbm4b:s1+s19], $0x80, s20, s19, $0xb8;
	[tilespmem:$0x1E500] =	vst v63  }
0x258: {  	_ =	swait.ge [sflag:s26], $0x4000  }
0x259: {  	[sflag:s26] =	ssyncset.done $0x0  }
0x25a: {  	[sflag:s26] =	ssyncadd.s32 $0xFFFFC000  }
0x25b: {  	_ =	swait.ge [sflag:s30], $0x800  }
0x25c: {  	[sflag:s30] =	ssyncset.done $0x0  }
0x25d: {  	[sflag:s30] =	ssyncadd.s32 $0xFFFFF800  }
0x25e: {  	[spmem:s7] =	stream.linear.scatter [tilespmem:s23], [sflag:$0x4], $0x4000, $0x38;
	[tilespmem:$0x1E500] =	vst v63  }
0x25f: {  	v1 =	vld [tilespmem:$0x6380]  }
0x260: {  	v2 =	vld [tilespmem:$0x6390]  }
0x261: {  	v3 =	vld [tilespmem:$0x63A0]  }
0x262: {  	v55 =	vld [tilespmem:$0x63B0]  }
0x263: {  	v56 =	vld [tilespmem:$0x63C0]  }
0x264: {  	v57 =	vld [tilespmem:$0x63D0]  }
0x265: {  	v58 =	vld [tilespmem:$0x63E0]  }
0x266: {  	v59 =	vld [tilespmem:$0x63F0]  }
0x267: {  	v1 =	vmul.f32 v1, v0  }
0x268: {  	v2 =	vmul.f32 v2, v0;
	v3 =	vmul.f32 v3, v0  }
0x269: {  	v4 =	vmul.f32 v55, v0;
	v5 =	vmul.f32 v56, v0  }
0x26a: {  	v6 =	vmul.f32 v57, v0;
	v7 =	vmul.f32 v58, v0  }
0x26b: {  	v8 =	vmul.f32 v59, v0;
	v1 =	vtrunc.f32 v1  }
0x26c: {  	v2 =	vtrunc.f32 v2;
	v3 =	vtrunc.f32 v3  }
0x26d: {  	v4 =	vtrunc.f32 v4;
	v5 =	vtrunc.f32 v5  }
0x26e: {  	v6 =	vtrunc.f32 v6;
	v61 =	vtrunc.f32 v7  }
0x26f: {  	v62 =	vtrunc.f32 v8;
	v1 =	vcvt.f32.s32 v1  }
0x270: {  	v2 =	vcvt.f32.s32 v2;
	v3 =	vcvt.f32.s32 v3  }
0x271: {  	v4 =	vcvt.f32.s32 v4;
	v5 =	vcvt.f32.s32 v5  }
0x272: {  	v60 =	vcvt.f32.s32 v6;
	v63 =	vcvt.f32.s32 v62;
	vm10 =	vgt.s32 v1, $0x0  }
0x273: {  	vm11 =	vgt.s32 v2, $0x0;
	vm1 =	vgt.s32 v3, $0x0;
	v1 =	vnsel vm10, $0x0, v1  }
0x274: {  	vm2 =	vgt.s32 v4, $0x0;
	v2 =	vnsel vm11, $0x0, v2;
	v1 =	vmin.u32 v1, $0xC34F  }
0x275: {  	vm12 =	vgt.s32 v5, $0x0;
	v3 =	vnsel vm1, $0x0, v3;
	v2 =	vmin.u32 v2, $0xC34F;
	[tilespmem:$0xA480] =	vst v1  }
0x276: {  	v4 =	vnsel vm2, $0x0, v4;
	v3 =	vmin.u32 v3, $0xC34F;
	[tilespmem:$0xA490] =	vst v2;
	v2 =	vcvt.f32.s32 v61  }
0x277: {  	vm13 =	vgt.s32 v60, $0x0;
	v1 =	vmin.u32 v4, $0xC34F;
	[tilespmem:$0xA4A0] =	vst v3;
	v3 =	vnsel vm12, $0x0, v5  }
0x278: {  	[tilespmem:$0xA4B0] =	vst v1;
	v1 =	vmin.u32 v3, $0xC34F;
	v3 =	vnsel vm13, $0x0, v60;
	vm14 =	vgt.s32 v2, $0x0  }
0x279: {  	vm15 =	vgt.s32 v63, $0x0;
	[tilespmem:$0xA4C0] =	vst v1;
	v1 =	vmin.u32 v3, $0xC34F;
	v2 =	vnsel vm14, $0x0, v2  }
0x27a: {  	[tilespmem:$0xA4D0] =	vst v1;
	v1 =	vnsel vm15, $0x0, v63;
	v2 =	vmin.u32 v2, $0xC34F  }
0x27b: {  	v1 =	vmin.u32 v1, $0xC34F;
	[tilespmem:$0xA4E0] =	vst v2  }
0x27c: {  	[tilespmem:$0xA4F0] =	vst v1  }
0x27d: {  	_ =	swait.ge [sflag:s28], $0x4000  }
0x27e: {  	[sflag:s28] =	ssyncset.done $0x0  }
0x27f: {  	s6 =	rddreg [dreg:$0xf];
	[sflag:s28] =	ssyncadd.s32 $0xFFFFC000  }
0x280: {  	[hbm:s6], [sflag:s0] =	dma.local [spmem:s8], $0x800  }
0x281: {  	[tilespmem:s23], [sflag:$0x3] =	stream.indirect.gather [hbm4b:s1+s19], $0x80, s22, s19, $0xb8;
	[tilespmem:$0x1E500] =	vst v63  }
0x282: {  	_ =	swait.ge [sflag:s24], $0x4000  }
0x283: {  	[sflag:s24] =	ssyncset.done $0x0  }
0x284: {  	[sflag:s24] =	ssyncadd.s32 $0xFFFFC000  }
0x285: {  	_ =	swait.ge [sflag:s31], $0x800  }
0x286: {  	[sflag:s31] =	ssyncset.done $0x0  }
0x287: {  	[sflag:s31] =	ssyncadd.s32 $0xFFFFF800  }
0x288: {  	[spmem:s9] =	stream.linear.scatter [tilespmem:s21], [sflag:$0x2], $0x4000, $0x38;
	[tilespmem:$0x1E500] =	vst v63  }
0x289: {  	_ =	swait.ge [sflag:s25], $0x4000  }
0x28a: {  	[sflag:s25] =	ssyncset.done $0x0  }
0x28b: {  	s10 =	rddreg [dreg:$0x10];
	[sflag:s25] =	ssyncadd.s32 $0xFFFFC000  }
0x28c: {  	[hbm:s10], [sflag:s12] =	dma.local [spmem:s13], $0x800  }
0x28d: {  	_ =	swait.ge [sflag:s26], $0x4000  }
0x28e: {  	[sflag:s26] =	ssyncset.done $0x0  }
0x28f: {  	[sflag:s26] =	ssyncadd.s32 $0xFFFFC000  }
0x290: {  	_ =	swait.ge [sflag:s2], $0x800  }
0x291: {  	[sflag:s2] =	ssyncset.done $0x0  }
0x292: {  	[sflag:s2] =	ssyncadd.s32 $0xFFFFF800  }
0x293: {  	[spmem:s11] =	stream.linear.scatter [tilespmem:s23], [sflag:$0x4], $0x4000, $0x38;
	[tilespmem:$0x1E500] =	vst v63  }
0x294: {  	_ =	swait.ge [sflag:s28], $0x4000  }
0x295: {  	[sflag:s28] =	ssyncset.done $0x0  }
0x296: {  	s16 =	rddreg [dreg:$0x11];
	[sflag:s28] =	ssyncadd.s32 $0xFFFFC000  }
0x297: {  	[hbm:s16], [sflag:s14] =	dma.local [spmem:s15], $0x800  }
0x298: {  	_ =	swait.ge [sflag:s29], $0x800  }
0x299: {  	[sflag:s29] =	ssyncset.done $0x0  }
0x29a: {  	[sflag:s29] =	ssyncadd.s32 $0xFFFFF800  }
0x29b: {  	_ =	swait.ge [sflag:s30], $0x800  }
0x29c: {  	[sflag:s30] =	ssyncset.done $0x0  }
0x29d: {  	[sflag:s30] =	ssyncadd.s32 $0xFFFFF800  }
0x29e: {  	_ =	swait.ge [sflag:s31], $0x800  }
0x29f: {  	[sflag:s31] =	ssyncset.done $0x0  }
0x2a0: {  	[sflag:s31] =	ssyncadd.s32 $0xFFFFF800  }
0x2a1: {  	_ =	swait.ge [sflag:s2], $0x800  }
0x2a2: {  	s3 =	sadd.s32 $0x1, s3;
	s17 =	rddreg [dreg:$0x12]  }
0x2a3: {  	p0 =	sne.s32 s3, s17  }
.Ltmp1:
0x2a4: {  	_ = 	snop;
	(pc) =	sbr.rel @p0 .LBB2_1-.Ltmp1, $3  }
0x2a5: {  	_ =	sdelay $0x1  }
0x2a6: {  	[sflag:s2] =	ssyncset.done $0x0  }
0x2a7: {  	[sflag:s2] =	ssyncadd.s32 $0xFFFFF800  }
0x2a8: {  	_ =	sfence.sel $0x180000  }
0x2a9: {  	[bflag:$0x0] =	sbarrier.arrive $0xFFFF  }
0x2aa: {  	_ =	strace $0x90000047  }
0x2ab: {  	s0 =	stileid.u32;
	[bflag:$0x2] =	sbarrier.arrive $0xFFFF  }
0x2ac: {  	p0 =	sne.s32 s0, $0x0;
	s0 =	rddreg [dreg:$0x4]  }
0x2ad: {  	s0 =	sadd.s32 @!p0 $0x100000, s0  }
0x2ae: {  	[sflag:s0] =	ssyncadd.tile.s32 @!p0 $0x1;
	_ =	shalt  }
.Lfunc_end2:
_tile_overlayer_lowered:
.L_overlay_start_2:
0x2af: {  	(tag) =	ssettag $0x2  }
0x2b0: {  	s0 =	rddreg [dreg:$0x0];
	s2 =	stileid.u32  }
0x2b1: {  	s1 =	rddreg [dreg:$0x1];
	p0 =	sne.s32 s2, $0x0  }
0x2b2: {  	s3 =	rddreg [dreg:$0x2];
	[bflag:$0x3] =	sbarrier.arrive $0xFFFF;
	s2 =	simm.s32 @!p0 $0x1C09  }
0x2b3: {  	[timem:s3], [sflag:s2] =	dma.local @!p0 [hbm:s0], s1  }
0x2b4: {  	s0 =	simm.s32 @!p0 $0x9  }
0x2b5: {  	_ =	swait.ge @!p0 [sflag:s0], s1  }
0x2b6: {  	s1 =	ssub.s32 @!p0 $0x0, s1;
	[sflag:s0] =	ssyncset.done @!p0 $0x0  }
0x2b7: {  	[sflag:s0] =	ssyncadd.s32 @!p0 s1  }
0x2b8: {  	[bflag:$0x3] =	sbarrier.arrive $0xFFFF  }
0x2b9: {  	_ =	shalt  }

</sc_bundles>
